<compile_context>
chip_gen: v7x
topology: tpu7x:2x2x1
jax: 0.10.2.dev20260603
libtpu: 0.0.44.dev20260713+nightly
codegen_flags: <defaults>
</compile_context>

<pallas_src>
import functools

import jax
import jax.numpy as jnp
from jax import lax
from jax.experimental import pallas as pl
from jax.experimental.pallas import tpu as pltpu
from jax.experimental.pallas import tpu_sc as plsc

_VMEM_LIMIT = pltpu.CompilerParams(vmem_limit_bytes=63 * 1024 * 1024)

_NW = 32
_K = 8
_CSPLIT = 4992
_NPAD = 10240


def _sc_deg(adj):
    n = adj.shape[0]
    base_rows = 312
    nchunk = base_rows // _K
    wa = _CSPLIT
    wb = n - _CSPLIT

    mesh = plsc.VectorSubcoreMesh(core_axis_name="c", subcore_axis_name="s")

    @functools.partial(
        pl.kernel,
        out_type=jax.ShapeDtypeStruct((_NW * _NPAD,), jnp.float32),
        mesh=mesh,
        scratch_types=[
            pltpu.VMEM((_K, wa), jnp.float32),
            pltpu.VMEM((_K, wb), jnp.float32),
            pltpu.VMEM((_NPAD,), jnp.float32),
            pltpu.SemaphoreType.DMA,
            pltpu.SemaphoreType.DMA,
        ],
    )
    def k(adj_hbm, out_hbm, buf_a, buf_b, acc, sem_a, sem_b):
        c = lax.axis_index("c")
        s = lax.axis_index("s")
        wid = c * 16 + s
        row0 = wid * base_rows + 8 * jnp.minimum(wid, 2)

        def zero_body(i, _):
            acc[pl.ds(i * 16, 16)] = jnp.zeros((16,), jnp.float32)
            return 0

        lax.fori_loop(0, _NPAD // 16, zero_body, 0)

        def accum_a(i, _):
            v = acc[pl.ds(i * 16, 16)]
            for r in range(_K):
                v = v + buf_a[r, pl.ds(i * 16, 16)]
            acc[pl.ds(i * 16, 16)] = v
            return 0

        def accum_b(i, _):
            v = acc[pl.ds(_CSPLIT + i * 16, 16)]
            for r in range(_K):
                v = v + buf_b[r, pl.ds(i * 16, 16)]
            acc[pl.ds(_CSPLIT + i * 16, 16)] = v
            return 0

        def chunk(start):
            cp_a = pltpu.make_async_copy(
                adj_hbm.at[pl.ds(start, _K), pl.ds(0, wa)], buf_a, sem_a)
            cp_b = pltpu.make_async_copy(
                adj_hbm.at[pl.ds(start, _K), pl.ds(_CSPLIT, wb)], buf_b,
                sem_b)
            cp_a.start()
            cp_b.start()
            cp_a.wait()
            lax.fori_loop(0, wa // 16, accum_a, 0)
            cp_b.wait()
            lax.fori_loop(0, wb // 16, accum_b, 0)

        def chunk_body(g, _):
            chunk(row0 + g * _K)
            return 0

        lax.fori_loop(0, nchunk, chunk_body, 0)

        @pl.when(wid < 2)
        def _():
            chunk(row0 + base_rows)

        pltpu.sync_copy(acc, out_hbm.at[pl.ds(wid * _NPAD, _NPAD)])

    return k(adj)


def _prep_kernel(adj_ref, part_ref, mask_ref, dinv_ref, *, nblk, blk, n):
    j = pl.program_id(0)
    a = adj_ref[...]
    mask_ref[...] = a.astype(jnp.int8)

    @pl.when(j == 0)
    def _():
        deg = 1.0 + jnp.sum(part_ref[:, :n], axis=0, keepdims=True)
        dinv_ref[...] = jnp.where(deg > 0, jax.lax.rsqrt(deg), 0.0)


def _gcn_kernel(mask_ref, x_ref, w_ref, b_ref, dinv_ref, out_ref,
                u_ref, dcol_ref, *, nblk, blk, relu, logsm, temp):
    j = pl.program_id(0)

    @pl.when(j == 0)
    def _():
        one = jnp.ones((1, 1), dtype=jnp.float32)
        dcol_ref[...] = jax.lax.dot_general(
            dinv_ref[...], one, (((0,), (0,)), ((), ())),
            preferred_element_type=jnp.float32)
        u = dcol_ref[...] * jnp.dot(
            x_ref[...], w_ref[...], preferred_element_type=jnp.float32)
        u_ref[...] = u.astype(jnp.bfloat16)
        out_ref[...] = jnp.zeros_like(out_ref)

    u_blk = u_ref[pl.ds(j * blk, blk), :]
    out_ref[...] += jax.lax.dot_general(
        mask_ref[...].astype(jnp.bfloat16), u_blk, (((0,), (0,)), ((), ())),
        preferred_element_type=jnp.float32)

    @pl.when(j == nblk - 1)
    def _():
        v = dcol_ref[...] * (out_ref[...] + u_ref[...].astype(jnp.float32))
        v = v + b_ref[...]
        if relu:
            v = jnp.maximum(v, 0.0)
        if logsm:
            t = v * (1.0 / temp)
            m = jnp.max(t, axis=1, keepdims=True)
            sh = t - m
            v = sh - jnp.log(jnp.sum(jnp.exp(sh), axis=1, keepdims=True))
        out_ref[...] = v


def kernel(x, adj, W1, b1, W2, b2):
    n = adj.shape[0]
    blk = 400
    nblk = n // blk

    partials = _sc_deg(adj).reshape(_NW, _NPAD)

    mask, dinv = pl.pallas_call(
        functools.partial(_prep_kernel, nblk=nblk, blk=blk, n=n),
        grid=(nblk,),
        in_specs=[
            pl.BlockSpec((blk, n), lambda j: (j, 0)),
            pl.BlockSpec((_NW, _NPAD), lambda j: (0, 0)),
        ],
        out_specs=[
            pl.BlockSpec((blk, n), lambda j: (j, 0)),
            pl.BlockSpec((1, n), lambda j: (0, 0)),
        ],
        out_shape=[
            jax.ShapeDtypeStruct((n, n), jnp.int8),
            jax.ShapeDtypeStruct((1, n), jnp.float32),
        ],
        compiler_params=_VMEM_LIMIT,
    )(adj, partials)

    lblk = 400
    lnblk = n // lblk

    def layer(h, w, b, relu, logsm, temp):
        f = w.shape[1]
        return pl.pallas_call(
            functools.partial(_gcn_kernel, nblk=lnblk, blk=lblk, relu=relu,
                              logsm=logsm, temp=temp),
            grid=(lnblk,),
            in_specs=[
                pl.BlockSpec((lblk, n), lambda j: (j, 0)),
                pl.BlockSpec((n, h.shape[1]), lambda j: (0, 0)),
                pl.BlockSpec(w.shape, lambda j: (0, 0)),
                pl.BlockSpec((1, f), lambda j: (0, 0)),
                pl.BlockSpec((1, n), lambda j: (0, 0)),
            ],
            out_specs=pl.BlockSpec((n, f), lambda j: (0, 0)),
            out_shape=jax.ShapeDtypeStruct((n, f), jnp.float32),
            scratch_shapes=[
                pltpu.VMEM((n, f), jnp.bfloat16),
                pltpu.VMEM((n, 1), jnp.float32),
            ],
            compiler_params=_VMEM_LIMIT,
        )(mask, h, w, b.reshape(1, f), dinv)

    h1 = layer(x, W1, b1, relu=True, logsm=False, temp=1.0)
    out = layer(h1, W2, b2, relu=False, logsm=True, temp=0.2)
    return out

# --- scband reference (transcript-rebuilt; emitter-appended) ---
"""Pipeline reference for scband-co-g-17308718202960 (READ-ONLY COPY).

The authoritative reference and input builder live on the scoring server;
editing this copy changes nothing except your own understanding.
"""

import jax, jax.numpy as jnp
import numpy as np

N = 10000
E = 160000
IN_DIM = 128
HID = 128
NCLASS = 16


def setup_inputs(seed: int = 0) -> dict:
    key = jax.random.key(seed)
    k1, k2, k3, k4, k5 = jax.random.split(key, 5)
    x = jax.random.normal(k1, (N, IN_DIM), dtype=jnp.float32)
    # Sparse binary adjacency with ~E nonzeros (avg_degree ~16). The torch
    # forward takes a dense adj and extracts edges via adj.nonzero(); we
    # build the same dense matrix here from random edge endpoints.
    src = jax.random.randint(k2, (E,), 0, N)
    dst = jax.random.randint(k3, (E,), 0, N)
    adj = jnp.zeros((N, N), dtype=jnp.float32).at[src, dst].set(1.0)
    # GCNConv parameters (glorot-ish init, bias zeros) for conv1 and conv2
    lim1 = float(1.0 / np.sqrt(IN_DIM))
    W1 = jax.random.uniform(k4, (IN_DIM, HID), minval=-lim1, maxval=lim1, dtype=jnp.float32)
    b1 = jnp.zeros((HID,), dtype=jnp.float32)
    lim2 = float(1.0 / np.sqrt(HID))
    W2 = jax.random.uniform(k5, (HID, NCLASS), minval=-lim2, maxval=lim2, dtype=jnp.float32)
    b2 = jnp.zeros((NCLASS,), dtype=jnp.float32)
    return {"x": x, "adj": adj, "W1": W1, "b1": b1, "W2": W2, "b2": b2}


def _gcn_conv(x, W, b, row, col, ew, n):
    # torch_geometric GCNConv: add self-loops (fill_value=1), symmetric norm
    # deg^-1/2[row] * w * deg^-1/2[col] with deg computed at target (col),
    # linear transform, scatter-add messages to target nodes, add bias.
    loop = jnp.arange(n)
    row_f = jnp.concatenate([row, loop])
    col_f = jnp.concatenate([col, loop])
    ew_f = jnp.concatenate([ew, jnp.ones((n,), dtype=x.dtype)])
    deg = jnp.zeros((n,), dtype=x.dtype).at[col_f].add(ew_f)
    dinv = jnp.where(deg > 0, deg ** -0.5, 0.0)
    norm = dinv[row_f] * ew_f * dinv[col_f]
    h = x @ W
    msg = h[row_f] * norm[:, None]
    out = jnp.zeros((n, W.shape[1]), dtype=x.dtype).at[col_f].add(msg)
    return out + b


def reference(x, adj, W1, b1, W2, b2):
    # CoG.forward(x, adj): edge_index = adj.nonzero().T; edge_weight = adj[edge_index]
    ridx, cidx = jnp.nonzero(adj, size=E, fill_value=0)
    nnz = jnp.count_nonzero(adj)
    valid = (jnp.arange(E) < nnz).astype(adj.dtype)
    ew = adj[ridx, cidx] * valid
    n = x.shape[0]
    # GCN.get_embeds: conv1 -> relu -> dropout(eval: identity) -> conv2
    h = jax.nn.relu(_gcn_conv(x, W1, b1, ridx, cidx, ew, n))
    h = _gcn_conv(h, W2, b2, ridx, cidx, ew, n)
    # GCN.forward: log_softmax(x / T) with T=0.2; forward_classifier slices
    # logit[:n_real] where n_real == N here (identity slice).
    T = 0.2
    return jax.nn.log_softmax(h / T, axis=1)

if __name__ == "__main__":
    import jax
    _d = setup_inputs()
    print(jax.jit(kernel)(*tuple(_d.values())))

</pallas_src>

<mosaic_0001>
#map = affine_map<(d0, d1) -> (0, 0)>
#map1 = affine_map<(d0, d1) -> (0)>
module attributes {stable_mosaic.version = 14 : i64} {
  func.func @k(%arg0: i32, %arg1: i32, %arg2: memref<10000x10000xf32, #tpu.memory_space<hbm>>, %arg3: memref<327680xf32, #tpu.memory_space<hbm>>, %arg4: memref<8x4992xf32, #tpu.memory_space<vmem>>, %arg5: memref<8x5008xf32, #tpu.memory_space<vmem>>, %arg6: memref<10240xf32, #tpu.memory_space<vmem>>, %arg7: memref<!tpu.dma_semaphore, #tpu.memory_space<semaphore_mem>>, %arg8: memref<!tpu.dma_semaphore, #tpu.memory_space<semaphore_mem>>) attributes {dimension_semantics = [#tpu.dimension_semantics<core_parallel>, #tpu.dimension_semantics<subcore_parallel>], iteration_bounds = array<i64: 2, 16>, scalar_prefetch = 0 : i64, scratch_operands = 5 : i64, tpu.core_type = #tpu.core_type<sc_vector_subcore>, window_params = [{transform_indices = #map}, {transform_indices = #map1}]} {
    %mul3A = arith.constant 16 : i32
    %mul3A_0 = arith.muli %arg0, %mul3A : i32
    %add3A = arith.addi %mul3A_0, %arg1 : i32
    %mul3A_1 = arith.constant 312 : i32
    %mul3A_2 = arith.muli %add3A, %mul3A_1 : i32
    %min3A = arith.constant 2 : i32
    %min3A_3 = arith.minsi %add3A, %min3A : i32
    %mul3A_4 = arith.constant 8 : i32
    %mul3A_5 = arith.muli %mul3A_4, %min3A_3 : i32
    %add3A_6 = arith.addi %mul3A_2, %mul3A_5 : i32
    %scan3A = arith.constant 0 : i32
    %scan3A_7 = arith.constant 0 : i32
    %scan3A_8 = arith.constant 640 : i32
    %scan3A_9 = arith.addi %scan3A_7, %scan3A_8 : i32
    %scan3A_10 = arith.constant 1 : i32
    %scan3A_11 = scf.for %scan3A_24 = %scan3A_7 to %scan3A_9 step %scan3A_10 iter_args(%scan3A_25 = %scan3A) -> (i32)  : i32 {
      %broadcast_in_dim3A = arith.constant 0.000000e+00 : f32
      %broadcast_in_dim3A_26 = vector.broadcast %broadcast_in_dim3A : f32 to vector<16xf32>
      %mul3A_27 = arith.constant 16 : i32
      %mul3A_28 = arith.muli %scan3A_24, %mul3A_27 : i32
      %swap3A = arith.index_cast %mul3A_28 : i32 to index
      %swap3A_29 = tpu.vector_load %arg6[%swap3A] {strides = array<i32>} : memref<10240xf32, #tpu.memory_space<vmem>>, vector<16xf32>,
      %swap3A_30 = vector.shape_cast %swap3A_29 : vector<16xf32> to vector<16xf32>
      %swap3A_31 = vector.shape_cast %broadcast_in_dim3A_26 : vector<16xf32> to vector<16xf32>
      tpu.vector_store %arg6[%swap3A], %swap3A_31 {strides = array<i32>} : memref<10240xf32, #tpu.memory_space<vmem>>, vector<16xf32>,
      %scan3A_32 = arith.constant 0 : i32
      scf.yield %scan3A_32 : i32
    }
    %scan3A_12 = arith.constant 640 : i32
    %scan3A_13 = arith.constant 0 : i32
    %scan3A_14 = arith.constant 0 : i32
    %scan3A_15 = arith.constant 39 : i32
    %scan3A_16 = arith.addi %scan3A_14, %scan3A_15 : i32
    %scan3A_17 = arith.constant 1 : i32
    %scan3A_18 = scf.for %scan3A_24 = %scan3A_14 to %scan3A_16 step %scan3A_17 iter_args(%scan3A_25 = %scan3A_13) -> (i32)  : i32 {
      %mul3A_26 = arith.constant 8 : i32
      %mul3A_27 = arith.muli %scan3A_24, %mul3A_26 : i32
      %add3A_28 = arith.addi %add3A_6, %mul3A_27 : i32
      %dma_start3A = arith.constant 0 : i32
      %dma_start3A_29 = tpu.memref_slice %arg2[%add3A_28, %dma_start3A] : memref<10000x10000xf32, #tpu.memory_space<hbm>> -> memref<8x4992xf32, #tpu.memory_space<hbm>>
      %dma_start3A_30 = arith.constant 0 : i32
      %dma_start3A_31 = tpu.memref_slice %arg2[%add3A_28, %dma_start3A_30] : memref<10000x10000xf32, #tpu.memory_space<hbm>> -> memref<8x4992xf32, #tpu.memory_space<hbm>>
      tpu.enqueue_dma source(%dma_start3A_31 : memref<8x4992xf32, #tpu.memory_space<hbm>>) target(%arg4 : memref<8x4992xf32, #tpu.memory_space<vmem>>) target_semaphore(%arg7 : memref<!tpu.dma_semaphore, #tpu.memory_space<semaphore_mem>>)
      %dma_start3A_32 = arith.constant 4992 : i32
      %dma_start3A_33 = tpu.memref_slice %arg2[%add3A_28, %dma_start3A_32] : memref<10000x10000xf32, #tpu.memory_space<hbm>> -> memref<8x5008xf32, #tpu.memory_space<hbm>>
      %dma_start3A_34 = arith.constant 4992 : i32
      %dma_start3A_35 = tpu.memref_slice %arg2[%add3A_28, %dma_start3A_34] : memref<10000x10000xf32, #tpu.memory_space<hbm>> -> memref<8x5008xf32, #tpu.memory_space<hbm>>
      tpu.enqueue_dma source(%dma_start3A_35 : memref<8x5008xf32, #tpu.memory_space<hbm>>) target(%arg5 : memref<8x5008xf32, #tpu.memory_space<vmem>>) target_semaphore(%arg8 : memref<!tpu.dma_semaphore, #tpu.memory_space<semaphore_mem>>)
      %dma_wait3A = arith.constant 0 : i32
      %dma_wait3A_36 = tpu.memref_slice %arg2[%add3A_28, %dma_wait3A] : memref<10000x10000xf32, #tpu.memory_space<hbm>> -> memref<8x4992xf32, #tpu.memory_space<hbm>>
      %dma_wait3A_37 = arith.constant 0 : i32
      %dma_wait3A_38 = tpu.memref_slice %arg2[%add3A_28, %dma_wait3A_37] : memref<10000x10000xf32, #tpu.memory_space<hbm>> -> memref<8x4992xf32, #tpu.memory_space<hbm>>
      tpu.wait_dma2 semaphore(%arg7 : memref<!tpu.dma_semaphore, #tpu.memory_space<semaphore_mem>>) src(%dma_wait3A_38 : memref<8x4992xf32, #tpu.memory_space<hbm>>) dst(%arg4 : memref<8x4992xf32, #tpu.memory_space<vmem>>)
      %scan3A_39 = arith.constant 0 : i32
      %scan3A_40 = arith.constant 0 : i32
      %scan3A_41 = arith.constant 312 : i32
      %scan3A_42 = arith.addi %scan3A_40, %scan3A_41 : i32
      %scan3A_43 = arith.constant 1 : i32
      %scan3A_44 = scf.for %scan3A_58 = %scan3A_40 to %scan3A_42 step %scan3A_43 iter_args(%scan3A_59 = %scan3A_39) -> (i32)  : i32 {
        %mul3A_60 = arith.constant 16 : i32
        %mul3A_61 = arith.muli %scan3A_58, %mul3A_60 : i32
        %get3A = arith.index_cast %mul3A_61 : i32 to index
        %get3A_62 = tpu.vector_load %arg6[%get3A] {strides = array<i32>} : memref<10240xf32, #tpu.memory_space<vmem>>, vector<16xf32>,
        %get3A_63 = vector.shape_cast %get3A_62 : vector<16xf32> to vector<16xf32>
        %mul3A_64 = arith.constant 16 : i32
        %mul3A_65 = arith.muli %scan3A_58, %mul3A_64 : i32
        %get3A_66 = arith.constant 0 : i32
        %get3A_67 = arith.index_cast %get3A_66 : i32 to index
        %get3A_68 = arith.index_cast %mul3A_65 : i32 to index
        %get3A_69 = tpu.vector_load %arg4[%get3A_67, %get3A_68] {strides = array<i32>} : memref<8x4992xf32, #tpu.memory_space<vmem>>, vector<1x16xf32>,
        %get3A_70 = vector.shape_cast %get3A_69 : vector<1x16xf32> to vector<16xf32>
        %add3A_71 = arith.addf %get3A_63, %get3A_70 : vector<16xf32>
        %mul3A_72 = arith.constant 16 : i32
        %mul3A_73 = arith.muli %scan3A_58, %mul3A_72 : i32
        %get3A_74 = arith.constant 1 : i32
        %get3A_75 = arith.index_cast %get3A_74 : i32 to index
        %get3A_76 = arith.index_cast %mul3A_73 : i32 to index
        %get3A_77 = tpu.vector_load %arg4[%get3A_75, %get3A_76] {strides = array<i32>} : memref<8x4992xf32, #tpu.memory_space<vmem>>, vector<1x16xf32>,
        %get3A_78 = vector.shape_cast %get3A_77 : vector<1x16xf32> to vector<16xf32>
        %add3A_79 = arith.addf %add3A_71, %get3A_78 : vector<16xf32>
        %mul3A_80 = arith.constant 16 : i32
        %mul3A_81 = arith.muli %scan3A_58, %mul3A_80 : i32
        %get3A_82 = arith.constant 2 : i32
        %get3A_83 = arith.index_cast %get3A_82 : i32 to index
        %get3A_84 = arith.index_cast %mul3A_81 : i32 to index
        %get3A_85 = tpu.vector_load %arg4[%get3A_83, %get3A_84] {strides = array<i32>} : memref<8x4992xf32, #tpu.memory_space<vmem>>, vector<1x16xf32>,
        %get3A_86 = vector.shape_cast %get3A_85 : vector<1x16xf32> to vector<16xf32>
        %add3A_87 = arith.addf %add3A_79, %get3A_86 : vector<16xf32>
        %mul3A_88 = arith.constant 16 : i32
        %mul3A_89 = arith.muli %scan3A_58, %mul3A_88 : i32
        %get3A_90 = arith.constant 3 : i32
        %get3A_91 = arith.index_cast %get3A_90 : i32 to index
        %get3A_92 = arith.index_cast %mul3A_89 : i32 to index
        %get3A_93 = tpu.vector_load %arg4[%get3A_91, %get3A_92] {strides = array<i32>} : memref<8x4992xf32, #tpu.memory_space<vmem>>, vector<1x16xf32>,
        %get3A_94 = vector.shape_cast %get3A_93 : vector<1x16xf32> to vector<16xf32>
        %add3A_95 = arith.addf %add3A_87, %get3A_94 : vector<16xf32>
        %mul3A_96 = arith.constant 16 : i32
        %mul3A_97 = arith.muli %scan3A_58, %mul3A_96 : i32
        %get3A_98 = arith.constant 4 : i32
        %get3A_99 = arith.index_cast %get3A_98 : i32 to index
        %get3A_100 = arith.index_cast %mul3A_97 : i32 to index
        %get3A_101 = tpu.vector_load %arg4[%get3A_99, %get3A_100] {strides = array<i32>} : memref<8x4992xf32, #tpu.memory_space<vmem>>, vector<1x16xf32>,
        %get3A_102 = vector.shape_cast %get3A_101 : vector<1x16xf32> to vector<16xf32>
        %add3A_103 = arith.addf %add3A_95, %get3A_102 : vector<16xf32>
        %mul3A_104 = arith.constant 16 : i32
        %mul3A_105 = arith.muli %scan3A_58, %mul3A_104 : i32
        %get3A_106 = arith.constant 5 : i32
        %get3A_107 = arith.index_cast %get3A_106 : i32 to index
        %get3A_108 = arith.index_cast %mul3A_105 : i32 to index
        %get3A_109 = tpu.vector_load %arg4[%get3A_107, %get3A_108] {strides = array<i32>} : memref<8x4992xf32, #tpu.memory_space<vmem>>, vector<1x16xf32>,
        %get3A_110 = vector.shape_cast %get3A_109 : vector<1x16xf32> to vector<16xf32>
        %add3A_111 = arith.addf %add3A_103, %get3A_110 : vector<16xf32>
        %mul3A_112 = arith.constant 16 : i32
        %mul3A_113 = arith.muli %scan3A_58, %mul3A_112 : i32
        %get3A_114 = arith.constant 6 : i32
        %get3A_115 = arith.index_cast %get3A_114 : i32 to index
        %get3A_116 = arith.index_cast %mul3A_113 : i32 to index
        %get3A_117 = tpu.vector_load %arg4[%get3A_115, %get3A_116] {strides = array<i32>} : memref<8x4992xf32, #tpu.memory_space<vmem>>, vector<1x16xf32>,
        %get3A_118 = vector.shape_cast %get3A_117 : vector<1x16xf32> to vector<16xf32>
        %add3A_119 = arith.addf %add3A_111, %get3A_118 : vector<16xf32>
        %mul3A_120 = arith.constant 16 : i32
        %mul3A_121 = arith.muli %scan3A_58, %mul3A_120 : i32
        %get3A_122 = arith.constant 7 : i32
        %get3A_123 = arith.index_cast %get3A_122 : i32 to index
        %get3A_124 = arith.index_cast %mul3A_121 : i32 to index
        %get3A_125 = tpu.vector_load %arg4[%get3A_123, %get3A_124] {strides = array<i32>} : memref<8x4992xf32, #tpu.memory_space<vmem>>, vector<1x16xf32>,
        %get3A_126 = vector.shape_cast %get3A_125 : vector<1x16xf32> to vector<16xf32>
        %add3A_127 = arith.addf %add3A_119, %get3A_126 : vector<16xf32>
        %mul3A_128 = arith.constant 16 : i32
        %mul3A_129 = arith.muli %scan3A_58, %mul3A_128 : i32
        %swap3A = arith.index_cast %mul3A_129 : i32 to index
        %swap3A_130 = tpu.vector_load %arg6[%swap3A] {strides = array<i32>} : memref<10240xf32, #tpu.memory_space<vmem>>, vector<16xf32>,
        %swap3A_131 = vector.shape_cast %swap3A_130 : vector<16xf32> to vector<16xf32>
        %swap3A_132 = vector.shape_cast %add3A_127 : vector<16xf32> to vector<16xf32>
        tpu.vector_store %arg6[%swap3A], %swap3A_132 {strides = array<i32>} : memref<10240xf32, #tpu.memory_space<vmem>>, vector<16xf32>,
        %scan3A_133 = arith.constant 0 : i32
        scf.yield %scan3A_133 : i32
      }
      %scan3A_45 = arith.constant 312 : i32
      %dma_wait3A_46 = arith.constant 4992 : i32
      %dma_wait3A_47 = tpu.memref_slice %arg2[%add3A_28, %dma_wait3A_46] : memref<10000x10000xf32, #tpu.memory_space<hbm>> -> memref<8x5008xf32, #tpu.memory_space<hbm>>
      %dma_wait3A_48 = arith.constant 4992 : i32
      %dma_wait3A_49 = tpu.memref_slice %arg2[%add3A_28, %dma_wait3A_48] : memref<10000x10000xf32, #tpu.memory_space<hbm>> -> memref<8x5008xf32, #tpu.memory_space<hbm>>
      tpu.wait_dma2 semaphore(%arg8 : memref<!tpu.dma_semaphore, #tpu.memory_space<semaphore_mem>>) src(%dma_wait3A_49 : memref<8x5008xf32, #tpu.memory_space<hbm>>) dst(%arg5 : memref<8x5008xf32, #tpu.memory_space<vmem>>)
      %scan3A_50 = arith.constant 0 : i32
      %scan3A_51 = arith.constant 0 : i32
      %scan3A_52 = arith.constant 313 : i32
      %scan3A_53 = arith.addi %scan3A_51, %scan3A_52 : i32
      %scan3A_54 = arith.constant 1 : i32
      %scan3A_55 = scf.for %scan3A_58 = %scan3A_51 to %scan3A_53 step %scan3A_54 iter_args(%scan3A_59 = %scan3A_50) -> (i32)  : i32 {
        %mul3A_60 = arith.constant 16 : i32
        %mul3A_61 = arith.muli %scan3A_58, %mul3A_60 : i32
        %add3A_62 = arith.constant 4992 : i32
        %add3A_63 = arith.addi %add3A_62, %mul3A_61 : i32
        %get3A = arith.index_cast %add3A_63 : i32 to index
        %get3A_64 = tpu.vector_load %arg6[%get3A] {strides = array<i32>} : memref<10240xf32, #tpu.memory_space<vmem>>, vector<16xf32>,
        %get3A_65 = vector.shape_cast %get3A_64 : vector<16xf32> to vector<16xf32>
        %mul3A_66 = arith.constant 16 : i32
        %mul3A_67 = arith.muli %scan3A_58, %mul3A_66 : i32
        %get3A_68 = arith.constant 0 : i32
        %get3A_69 = arith.index_cast %get3A_68 : i32 to index
        %get3A_70 = arith.index_cast %mul3A_67 : i32 to index
        %get3A_71 = tpu.vector_load %arg5[%get3A_69, %get3A_70] {strides = array<i32>} : memref<8x5008xf32, #tpu.memory_space<vmem>>, vector<1x16xf32>,
        %get3A_72 = vector.shape_cast %get3A_71 : vector<1x16xf32> to vector<16xf32>
        %add3A_73 = arith.addf %get3A_65, %get3A_72 : vector<16xf32>
        %mul3A_74 = arith.constant 16 : i32
        %mul3A_75 = arith.muli %scan3A_58, %mul3A_74 : i32
        %get3A_76 = arith.constant 1 : i32
        %get3A_77 = arith.index_cast %get3A_76 : i32 to index
        %get3A_78 = arith.index_cast %mul3A_75 : i32 to index
        %get3A_79 = tpu.vector_load %arg5[%get3A_77, %get3A_78] {strides = array<i32>} : memref<8x5008xf32, #tpu.memory_space<vmem>>, vector<1x16xf32>,
        %get3A_80 = vector.shape_cast %get3A_79 : vector<1x16xf32> to vector<16xf32>
        %add3A_81 = arith.addf %add3A_73, %get3A_80 : vector<16xf32>
        %mul3A_82 = arith.constant 16 : i32
        %mul3A_83 = arith.muli %scan3A_58, %mul3A_82 : i32
        %get3A_84 = arith.constant 2 : i32
        %get3A_85 = arith.index_cast %get3A_84 : i32 to index
        %get3A_86 = arith.index_cast %mul3A_83 : i32 to index
        %get3A_87 = tpu.vector_load %arg5[%get3A_85, %get3A_86] {strides = array<i32>} : memref<8x5008xf32, #tpu.memory_space<vmem>>, vector<1x16xf32>,
        %get3A_88 = vector.shape_cast %get3A_87 : vector<1x16xf32> to vector<16xf32>
        %add3A_89 = arith.addf %add3A_81, %get3A_88 : vector<16xf32>
        %mul3A_90 = arith.constant 16 : i32
        %mul3A_91 = arith.muli %scan3A_58, %mul3A_90 : i32
        %get3A_92 = arith.constant 3 : i32
        %get3A_93 = arith.index_cast %get3A_92 : i32 to index
        %get3A_94 = arith.index_cast %mul3A_91 : i32 to index
        %get3A_95 = tpu.vector_load %arg5[%get3A_93, %get3A_94] {strides = array<i32>} : memref<8x5008xf32, #tpu.memory_space<vmem>>, vector<1x16xf32>,
        %get3A_96 = vector.shape_cast %get3A_95 : vector<1x16xf32> to vector<16xf32>
        %add3A_97 = arith.addf %add3A_89, %get3A_96 : vector<16xf32>
        %mul3A_98 = arith.constant 16 : i32
        %mul3A_99 = arith.muli %scan3A_58, %mul3A_98 : i32
        %get3A_100 = arith.constant 4 : i32
        %get3A_101 = arith.index_cast %get3A_100 : i32 to index
        %get3A_102 = arith.index_cast %mul3A_99 : i32 to index
        %get3A_103 = tpu.vector_load %arg5[%get3A_101, %get3A_102] {strides = array<i32>} : memref<8x5008xf32, #tpu.memory_space<vmem>>, vector<1x16xf32>,
        %get3A_104 = vector.shape_cast %get3A_103 : vector<1x16xf32> to vector<16xf32>
        %add3A_105 = arith.addf %add3A_97, %get3A_104 : vector<16xf32>
        %mul3A_106 = arith.constant 16 : i32
        %mul3A_107 = arith.muli %scan3A_58, %mul3A_106 : i32
        %get3A_108 = arith.constant 5 : i32
        %get3A_109 = arith.index_cast %get3A_108 : i32 to index
        %get3A_110 = arith.index_cast %mul3A_107 : i32 to index
        %get3A_111 = tpu.vector_load %arg5[%get3A_109, %get3A_110] {strides = array<i32>} : memref<8x5008xf32, #tpu.memory_space<vmem>>, vector<1x16xf32>,
        %get3A_112 = vector.shape_cast %get3A_111 : vector<1x16xf32> to vector<16xf32>
        %add3A_113 = arith.addf %add3A_105, %get3A_112 : vector<16xf32>
        %mul3A_114 = arith.constant 16 : i32
        %mul3A_115 = arith.muli %scan3A_58, %mul3A_114 : i32
        %get3A_116 = arith.constant 6 : i32
        %get3A_117 = arith.index_cast %get3A_116 : i32 to index
        %get3A_118 = arith.index_cast %mul3A_115 : i32 to index
        %get3A_119 = tpu.vector_load %arg5[%get3A_117, %get3A_118] {strides = array<i32>} : memref<8x5008xf32, #tpu.memory_space<vmem>>, vector<1x16xf32>,
        %get3A_120 = vector.shape_cast %get3A_119 : vector<1x16xf32> to vector<16xf32>
        %add3A_121 = arith.addf %add3A_113, %get3A_120 : vector<16xf32>
        %mul3A_122 = arith.constant 16 : i32
        %mul3A_123 = arith.muli %scan3A_58, %mul3A_122 : i32
        %get3A_124 = arith.constant 7 : i32
        %get3A_125 = arith.index_cast %get3A_124 : i32 to index
        %get3A_126 = arith.index_cast %mul3A_123 : i32 to index
        %get3A_127 = tpu.vector_load %arg5[%get3A_125, %get3A_126] {strides = array<i32>} : memref<8x5008xf32, #tpu.memory_space<vmem>>, vector<1x16xf32>,
        %get3A_128 = vector.shape_cast %get3A_127 : vector<1x16xf32> to vector<16xf32>
        %add3A_129 = arith.addf %add3A_121, %get3A_128 : vector<16xf32>
        %mul3A_130 = arith.constant 16 : i32
        %mul3A_131 = arith.muli %scan3A_58, %mul3A_130 : i32
        %add3A_132 = arith.constant 4992 : i32
        %add3A_133 = arith.addi %add3A_132, %mul3A_131 : i32
        %swap3A = arith.index_cast %add3A_133 : i32 to index
        %swap3A_134 = tpu.vector_load %arg6[%swap3A] {strides = array<i32>} : memref<10240xf32, #tpu.memory_space<vmem>>, vector<16xf32>,
        %swap3A_135 = vector.shape_cast %swap3A_134 : vector<16xf32> to vector<16xf32>
        %swap3A_136 = vector.shape_cast %add3A_129 : vector<16xf32> to vector<16xf32>
        tpu.vector_store %arg6[%swap3A], %swap3A_136 {strides = array<i32>} : memref<10240xf32, #tpu.memory_space<vmem>>, vector<16xf32>,
        %scan3A_137 = arith.constant 0 : i32
        scf.yield %scan3A_137 : i32
      }
      %scan3A_56 = arith.constant 313 : i32
      %scan3A_57 = arith.constant 0 : i32
      scf.yield %scan3A_57 : i32
    }
    %scan3A_19 = arith.constant 39 : i32
    %lt3A = arith.constant 2 : i32
    %lt3A_20 = arith.cmpi slt, %add3A, %lt3A : i32
    %convert_element_type3A = arith.extui %lt3A_20 : i1 to i32
    %cond3A = arith.constant 0 : i32
    %cond3A_21 = arith.cmpi ne, %convert_element_type3A, %cond3A : i32
    scf.if %cond3A_21 {
      %add3A_24 = arith.constant 312 : i32
      %add3A_25 = arith.addi %add3A_6, %add3A_24 : i32
      %dma_start3A = arith.constant 0 : i32
      %dma_start3A_26 = tpu.memref_slice %arg2[%add3A_25, %dma_start3A] : memref<10000x10000xf32, #tpu.memory_space<hbm>> -> memref<8x4992xf32, #tpu.memory_space<hbm>>
      %dma_start3A_27 = arith.constant 0 : i32
      %dma_start3A_28 = tpu.memref_slice %arg2[%add3A_25, %dma_start3A_27] : memref<10000x10000xf32, #tpu.memory_space<hbm>> -> memref<8x4992xf32, #tpu.memory_space<hbm>>
      tpu.enqueue_dma source(%dma_start3A_28 : memref<8x4992xf32, #tpu.memory_space<hbm>>) target(%arg4 : memref<8x4992xf32, #tpu.memory_space<vmem>>) target_semaphore(%arg7 : memref<!tpu.dma_semaphore, #tpu.memory_space<semaphore_mem>>)
      %dma_start3A_29 = arith.constant 4992 : i32
      %dma_start3A_30 = tpu.memref_slice %arg2[%add3A_25, %dma_start3A_29] : memref<10000x10000xf32, #tpu.memory_space<hbm>> -> memref<8x5008xf32, #tpu.memory_space<hbm>>
      %dma_start3A_31 = arith.constant 4992 : i32
      %dma_start3A_32 = tpu.memref_slice %arg2[%add3A_25, %dma_start3A_31] : memref<10000x10000xf32, #tpu.memory_space<hbm>> -> memref<8x5008xf32, #tpu.memory_space<hbm>>
      tpu.enqueue_dma source(%dma_start3A_32 : memref<8x5008xf32, #tpu.memory_space<hbm>>) target(%arg5 : memref<8x5008xf32, #tpu.memory_space<vmem>>) target_semaphore(%arg8 : memref<!tpu.dma_semaphore, #tpu.memory_space<semaphore_mem>>)
      %dma_wait3A = arith.constant 0 : i32
      %dma_wait3A_33 = tpu.memref_slice %arg2[%add3A_25, %dma_wait3A] : memref<10000x10000xf32, #tpu.memory_space<hbm>> -> memref<8x4992xf32, #tpu.memory_space<hbm>>
      %dma_wait3A_34 = arith.constant 0 : i32
      %dma_wait3A_35 = tpu.memref_slice %arg2[%add3A_25, %dma_wait3A_34] : memref<10000x10000xf32, #tpu.memory_space<hbm>> -> memref<8x4992xf32, #tpu.memory_space<hbm>>
      tpu.wait_dma2 semaphore(%arg7 : memref<!tpu.dma_semaphore, #tpu.memory_space<semaphore_mem>>) src(%dma_wait3A_35 : memref<8x4992xf32, #tpu.memory_space<hbm>>) dst(%arg4 : memref<8x4992xf32, #tpu.memory_space<vmem>>)
      %scan3A_36 = arith.constant 0 : i32
      %scan3A_37 = arith.constant 0 : i32
      %scan3A_38 = arith.constant 312 : i32
      %scan3A_39 = arith.addi %scan3A_37, %scan3A_38 : i32
      %scan3A_40 = arith.constant 1 : i32
      %scan3A_41 = scf.for %scan3A_54 = %scan3A_37 to %scan3A_39 step %scan3A_40 iter_args(%scan3A_55 = %scan3A_36) -> (i32)  : i32 {
        %mul3A_56 = arith.constant 16 : i32
        %mul3A_57 = arith.muli %scan3A_54, %mul3A_56 : i32
        %get3A = arith.index_cast %mul3A_57 : i32 to index
        %get3A_58 = tpu.vector_load %arg6[%get3A] {strides = array<i32>} : memref<10240xf32, #tpu.memory_space<vmem>>, vector<16xf32>,
        %get3A_59 = vector.shape_cast %get3A_58 : vector<16xf32> to vector<16xf32>
        %mul3A_60 = arith.constant 16 : i32
        %mul3A_61 = arith.muli %scan3A_54, %mul3A_60 : i32
        %get3A_62 = arith.constant 0 : i32
        %get3A_63 = arith.index_cast %get3A_62 : i32 to index
        %get3A_64 = arith.index_cast %mul3A_61 : i32 to index
        %get3A_65 = tpu.vector_load %arg4[%get3A_63, %get3A_64] {strides = array<i32>} : memref<8x4992xf32, #tpu.memory_space<vmem>>, vector<1x16xf32>,
        %get3A_66 = vector.shape_cast %get3A_65 : vector<1x16xf32> to vector<16xf32>
        %add3A_67 = arith.addf %get3A_59, %get3A_66 : vector<16xf32>
        %mul3A_68 = arith.constant 16 : i32
        %mul3A_69 = arith.muli %scan3A_54, %mul3A_68 : i32
        %get3A_70 = arith.constant 1 : i32
        %get3A_71 = arith.index_cast %get3A_70 : i32 to index
        %get3A_72 = arith.index_cast %mul3A_69 : i32 to index
        %get3A_73 = tpu.vector_load %arg4[%get3A_71, %get3A_72] {strides = array<i32>} : memref<8x4992xf32, #tpu.memory_space<vmem>>, vector<1x16xf32>,
        %get3A_74 = vector.shape_cast %get3A_73 : vector<1x16xf32> to vector<16xf32>
        %add3A_75 = arith.addf %add3A_67, %get3A_74 : vector<16xf32>
        %mul3A_76 = arith.constant 16 : i32
        %mul3A_77 = arith.muli %scan3A_54, %mul3A_76 : i32
        %get3A_78 = arith.constant 2 : i32
        %get3A_79 = arith.index_cast %get3A_78 : i32 to index
        %get3A_80 = arith.index_cast %mul3A_77 : i32 to index
        %get3A_81 = tpu.vector_load %arg4[%get3A_79, %get3A_80] {strides = array<i32>} : memref<8x4992xf32, #tpu.memory_space<vmem>>, vector<1x16xf32>,
        %get3A_82 = vector.shape_cast %get3A_81 : vector<1x16xf32> to vector<16xf32>
        %add3A_83 = arith.addf %add3A_75, %get3A_82 : vector<16xf32>
        %mul3A_84 = arith.constant 16 : i32
        %mul3A_85 = arith.muli %scan3A_54, %mul3A_84 : i32
        %get3A_86 = arith.constant 3 : i32
        %get3A_87 = arith.index_cast %get3A_86 : i32 to index
        %get3A_88 = arith.index_cast %mul3A_85 : i32 to index
        %get3A_89 = tpu.vector_load %arg4[%get3A_87, %get3A_88] {strides = array<i32>} : memref<8x4992xf32, #tpu.memory_space<vmem>>, vector<1x16xf32>,
        %get3A_90 = vector.shape_cast %get3A_89 : vector<1x16xf32> to vector<16xf32>
        %add3A_91 = arith.addf %add3A_83, %get3A_90 : vector<16xf32>
        %mul3A_92 = arith.constant 16 : i32
        %mul3A_93 = arith.muli %scan3A_54, %mul3A_92 : i32
        %get3A_94 = arith.constant 4 : i32
        %get3A_95 = arith.index_cast %get3A_94 : i32 to index
        %get3A_96 = arith.index_cast %mul3A_93 : i32 to index
        %get3A_97 = tpu.vector_load %arg4[%get3A_95, %get3A_96] {strides = array<i32>} : memref<8x4992xf32, #tpu.memory_space<vmem>>, vector<1x16xf32>,
        %get3A_98 = vector.shape_cast %get3A_97 : vector<1x16xf32> to vector<16xf32>
        %add3A_99 = arith.addf %add3A_91, %get3A_98 : vector<16xf32>
        %mul3A_100 = arith.constant 16 : i32
        %mul3A_101 = arith.muli %scan3A_54, %mul3A_100 : i32
        %get3A_102 = arith.constant 5 : i32
        %get3A_103 = arith.index_cast %get3A_102 : i32 to index
        %get3A_104 = arith.index_cast %mul3A_101 : i32 to index
        %get3A_105 = tpu.vector_load %arg4[%get3A_103, %get3A_104] {strides = array<i32>} : memref<8x4992xf32, #tpu.memory_space<vmem>>, vector<1x16xf32>,
        %get3A_106 = vector.shape_cast %get3A_105 : vector<1x16xf32> to vector<16xf32>
        %add3A_107 = arith.addf %add3A_99, %get3A_106 : vector<16xf32>
        %mul3A_108 = arith.constant 16 : i32
        %mul3A_109 = arith.muli %scan3A_54, %mul3A_108 : i32
        %get3A_110 = arith.constant 6 : i32
        %get3A_111 = arith.index_cast %get3A_110 : i32 to index
        %get3A_112 = arith.index_cast %mul3A_109 : i32 to index
        %get3A_113 = tpu.vector_load %arg4[%get3A_111, %get3A_112] {strides = array<i32>} : memref<8x4992xf32, #tpu.memory_space<vmem>>, vector<1x16xf32>,
        %get3A_114 = vector.shape_cast %get3A_113 : vector<1x16xf32> to vector<16xf32>
        %add3A_115 = arith.addf %add3A_107, %get3A_114 : vector<16xf32>
        %mul3A_116 = arith.constant 16 : i32
        %mul3A_117 = arith.muli %scan3A_54, %mul3A_116 : i32
        %get3A_118 = arith.constant 7 : i32
        %get3A_119 = arith.index_cast %get3A_118 : i32 to index
        %get3A_120 = arith.index_cast %mul3A_117 : i32 to index
        %get3A_121 = tpu.vector_load %arg4[%get3A_119, %get3A_120] {strides = array<i32>} : memref<8x4992xf32, #tpu.memory_space<vmem>>, vector<1x16xf32>,
        %get3A_122 = vector.shape_cast %get3A_121 : vector<1x16xf32> to vector<16xf32>
        %add3A_123 = arith.addf %add3A_115, %get3A_122 : vector<16xf32>
        %mul3A_124 = arith.constant 16 : i32
        %mul3A_125 = arith.muli %scan3A_54, %mul3A_124 : i32
        %swap3A = arith.index_cast %mul3A_125 : i32 to index
        %swap3A_126 = tpu.vector_load %arg6[%swap3A] {strides = array<i32>} : memref<10240xf32, #tpu.memory_space<vmem>>, vector<16xf32>,
        %swap3A_127 = vector.shape_cast %swap3A_126 : vector<16xf32> to vector<16xf32>
        %swap3A_128 = vector.shape_cast %add3A_123 : vector<16xf32> to vector<16xf32>
        tpu.vector_store %arg6[%swap3A], %swap3A_128 {strides = array<i32>} : memref<10240xf32, #tpu.memory_space<vmem>>, vector<16xf32>,
        %scan3A_129 = arith.constant 0 : i32
        scf.yield %scan3A_129 : i32
      }
      %scan3A_42 = arith.constant 312 : i32
      %dma_wait3A_43 = arith.constant 4992 : i32
      %dma_wait3A_44 = tpu.memref_slice %arg2[%add3A_25, %dma_wait3A_43] : memref<10000x10000xf32, #tpu.memory_space<hbm>> -> memref<8x5008xf32, #tpu.memory_space<hbm>>
      %dma_wait3A_45 = arith.constant 4992 : i32
      %dma_wait3A_46 = tpu.memref_slice %arg2[%add3A_25, %dma_wait3A_45] : memref<10000x10000xf32, #tpu.memory_space<hbm>> -> memref<8x5008xf32, #tpu.memory_space<hbm>>
      tpu.wait_dma2 semaphore(%arg8 : memref<!tpu.dma_semaphore, #tpu.memory_space<semaphore_mem>>) src(%dma_wait3A_46 : memref<8x5008xf32, #tpu.memory_space<hbm>>) dst(%arg5 : memref<8x5008xf32, #tpu.memory_space<vmem>>)
      %scan3A_47 = arith.constant 0 : i32
      %scan3A_48 = arith.constant 0 : i32
      %scan3A_49 = arith.constant 313 : i32
      %scan3A_50 = arith.addi %scan3A_48, %scan3A_49 : i32
      %scan3A_51 = arith.constant 1 : i32
      %scan3A_52 = scf.for %scan3A_54 = %scan3A_48 to %scan3A_50 step %scan3A_51 iter_args(%scan3A_55 = %scan3A_47) -> (i32)  : i32 {
        %mul3A_56 = arith.constant 16 : i32
        %mul3A_57 = arith.muli %scan3A_54, %mul3A_56 : i32
        %add3A_58 = arith.constant 4992 : i32
        %add3A_59 = arith.addi %add3A_58, %mul3A_57 : i32
        %get3A = arith.index_cast %add3A_59 : i32 to index
        %get3A_60 = tpu.vector_load %arg6[%get3A] {strides = array<i32>} : memref<10240xf32, #tpu.memory_space<vmem>>, vector<16xf32>,
        %get3A_61 = vector.shape_cast %get3A_60 : vector<16xf32> to vector<16xf32>
        %mul3A_62 = arith.constant 16 : i32
        %mul3A_63 = arith.muli %scan3A_54, %mul3A_62 : i32
        %get3A_64 = arith.constant 0 : i32
        %get3A_65 = arith.index_cast %get3A_64 : i32 to index
        %get3A_66 = arith.index_cast %mul3A_63 : i32 to index
        %get3A_67 = tpu.vector_load %arg5[%get3A_65, %get3A_66] {strides = array<i32>} : memref<8x5008xf32, #tpu.memory_space<vmem>>, vector<1x16xf32>,
        %get3A_68 = vector.shape_cast %get3A_67 : vector<1x16xf32> to vector<16xf32>
        %add3A_69 = arith.addf %get3A_61, %get3A_68 : vector<16xf32>
        %mul3A_70 = arith.constant 16 : i32
        %mul3A_71 = arith.muli %scan3A_54, %mul3A_70 : i32
        %get3A_72 = arith.constant 1 : i32
        %get3A_73 = arith.index_cast %get3A_72 : i32 to index
        %get3A_74 = arith.index_cast %mul3A_71 : i32 to index
        %get3A_75 = tpu.vector_load %arg5[%get3A_73, %get3A_74] {strides = array<i32>} : memref<8x5008xf32, #tpu.memory_space<vmem>>, vector<1x16xf32>,
        %get3A_76 = vector.shape_cast %get3A_75 : vector<1x16xf32> to vector<16xf32>
        %add3A_77 = arith.addf %add3A_69, %get3A_76 : vector<16xf32>
        %mul3A_78 = arith.constant 16 : i32
        %mul3A_79 = arith.muli %scan3A_54, %mul3A_78 : i32
        %get3A_80 = arith.constant 2 : i32
        %get3A_81 = arith.index_cast %get3A_80 : i32 to index
        %get3A_82 = arith.index_cast %mul3A_79 : i32 to index
        %get3A_83 = tpu.vector_load %arg5[%get3A_81, %get3A_82] {strides = array<i32>} : memref<8x5008xf32, #tpu.memory_space<vmem>>, vector<1x16xf32>,
        %get3A_84 = vector.shape_cast %get3A_83 : vector<1x16xf32> to vector<16xf32>
        %add3A_85 = arith.addf %add3A_77, %get3A_84 : vector<16xf32>
        %mul3A_86 = arith.constant 16 : i32
        %mul3A_87 = arith.muli %scan3A_54, %mul3A_86 : i32
        %get3A_88 = arith.constant 3 : i32
        %get3A_89 = arith.index_cast %get3A_88 : i32 to index
        %get3A_90 = arith.index_cast %mul3A_87 : i32 to index
        %get3A_91 = tpu.vector_load %arg5[%get3A_89, %get3A_90] {strides = array<i32>} : memref<8x5008xf32, #tpu.memory_space<vmem>>, vector<1x16xf32>,
        %get3A_92 = vector.shape_cast %get3A_91 : vector<1x16xf32> to vector<16xf32>
        %add3A_93 = arith.addf %add3A_85, %get3A_92 : vector<16xf32>
        %mul3A_94 = arith.constant 16 : i32
        %mul3A_95 = arith.muli %scan3A_54, %mul3A_94 : i32
        %get3A_96 = arith.constant 4 : i32
        %get3A_97 = arith.index_cast %get3A_96 : i32 to index
        %get3A_98 = arith.index_cast %mul3A_95 : i32 to index
        %get3A_99 = tpu.vector_load %arg5[%get3A_97, %get3A_98] {strides = array<i32>} : memref<8x5008xf32, #tpu.memory_space<vmem>>, vector<1x16xf32>,
        %get3A_100 = vector.shape_cast %get3A_99 : vector<1x16xf32> to vector<16xf32>
        %add3A_101 = arith.addf %add3A_93, %get3A_100 : vector<16xf32>
        %mul3A_102 = arith.constant 16 : i32
        %mul3A_103 = arith.muli %scan3A_54, %mul3A_102 : i32
        %get3A_104 = arith.constant 5 : i32
        %get3A_105 = arith.index_cast %get3A_104 : i32 to index
        %get3A_106 = arith.index_cast %mul3A_103 : i32 to index
        %get3A_107 = tpu.vector_load %arg5[%get3A_105, %get3A_106] {strides = array<i32>} : memref<8x5008xf32, #tpu.memory_space<vmem>>, vector<1x16xf32>,
        %get3A_108 = vector.shape_cast %get3A_107 : vector<1x16xf32> to vector<16xf32>
        %add3A_109 = arith.addf %add3A_101, %get3A_108 : vector<16xf32>
        %mul3A_110 = arith.constant 16 : i32
        %mul3A_111 = arith.muli %scan3A_54, %mul3A_110 : i32
        %get3A_112 = arith.constant 6 : i32
        %get3A_113 = arith.index_cast %get3A_112 : i32 to index
        %get3A_114 = arith.index_cast %mul3A_111 : i32 to index
        %get3A_115 = tpu.vector_load %arg5[%get3A_113, %get3A_114] {strides = array<i32>} : memref<8x5008xf32, #tpu.memory_space<vmem>>, vector<1x16xf32>,
        %get3A_116 = vector.shape_cast %get3A_115 : vector<1x16xf32> to vector<16xf32>
        %add3A_117 = arith.addf %add3A_109, %get3A_116 : vector<16xf32>
        %mul3A_118 = arith.constant 16 : i32
        %mul3A_119 = arith.muli %scan3A_54, %mul3A_118 : i32
        %get3A_120 = arith.constant 7 : i32
        %get3A_121 = arith.index_cast %get3A_120 : i32 to index
        %get3A_122 = arith.index_cast %mul3A_119 : i32 to index
        %get3A_123 = tpu.vector_load %arg5[%get3A_121, %get3A_122] {strides = array<i32>} : memref<8x5008xf32, #tpu.memory_space<vmem>>, vector<1x16xf32>,
        %get3A_124 = vector.shape_cast %get3A_123 : vector<1x16xf32> to vector<16xf32>
        %add3A_125 = arith.addf %add3A_117, %get3A_124 : vector<16xf32>
        %mul3A_126 = arith.constant 16 : i32
        %mul3A_127 = arith.muli %scan3A_54, %mul3A_126 : i32
        %add3A_128 = arith.constant 4992 : i32
        %add3A_129 = arith.addi %add3A_128, %mul3A_127 : i32
        %swap3A = arith.index_cast %add3A_129 : i32 to index
        %swap3A_130 = tpu.vector_load %arg6[%swap3A] {strides = array<i32>} : memref<10240xf32, #tpu.memory_space<vmem>>, vector<16xf32>,
        %swap3A_131 = vector.shape_cast %swap3A_130 : vector<16xf32> to vector<16xf32>
        %swap3A_132 = vector.shape_cast %add3A_125 : vector<16xf32> to vector<16xf32>
        tpu.vector_store %arg6[%swap3A], %swap3A_132 {strides = array<i32>} : memref<10240xf32, #tpu.memory_space<vmem>>, vector<16xf32>,
        %scan3A_133 = arith.constant 0 : i32
        scf.yield %scan3A_133 : i32
      }
      %scan3A_53 = arith.constant 313 : i32
    } else {
    }
    %mul3A_22 = arith.constant 10240 : i32
    %mul3A_23 = arith.muli %add3A, %mul3A_22 : i32
    "tpu.region"() ({
      %run_scoped3A = tpu.sem_alloc : memref<!tpu.dma_semaphore, #tpu.memory_space<semaphore_mem>>
      %dma_start3A = tpu.memref_slice %arg3[%mul3A_23] : memref<327680xf32, #tpu.memory_space<hbm>> -> memref<10240xf32, #tpu.memory_space<hbm>>
      %dma_start3A_24 = tpu.memref_slice %arg3[%mul3A_23] : memref<327680xf32, #tpu.memory_space<hbm>> -> memref<10240xf32, #tpu.memory_space<hbm>>
      tpu.enqueue_dma source(%arg6 : memref<10240xf32, #tpu.memory_space<vmem>>) target(%dma_start3A_24 : memref<10240xf32, #tpu.memory_space<hbm>>) target_semaphore(%run_scoped3A : memref<!tpu.dma_semaphore, #tpu.memory_space<semaphore_mem>>)
      %dma_wait3A = tpu.memref_slice %arg3[%mul3A_23] : memref<327680xf32, #tpu.memory_space<hbm>> -> memref<10240xf32, #tpu.memory_space<hbm>>
      %dma_wait3A_25 = tpu.memref_slice %arg3[%mul3A_23] : memref<327680xf32, #tpu.memory_space<hbm>> -> memref<10240xf32, #tpu.memory_space<hbm>>
      tpu.wait_dma2 semaphore(%run_scoped3A : memref<!tpu.dma_semaphore, #tpu.memory_space<semaphore_mem>>) src(%arg6 : memref<10240xf32, #tpu.memory_space<vmem>>) dst(%dma_wait3A_25 : memref<10240xf32, #tpu.memory_space<hbm>>)
      tpu.yield
    }) : () -> ()
    return
  }
}

module attributes {stable_mosaic.version = 14 : i64} {
  func.func @_gcn_kernel(%arg0: i32, %arg1: memref<400x10000xi8, #tpu.memory_space<vmem>>, %arg2: memref<10000x128xf32, #tpu.memory_space<vmem>>, %arg3: memref<128x16xf32, #tpu.memory_space<vmem>>, %arg4: memref<1x16xf32, #tpu.memory_space<vmem>>, %arg5: memref<1x10000xf32, #tpu.memory_space<vmem>>, %arg6: memref<10000x16xf32, #tpu.memory_space<vmem>>, %arg7: memref<10000x16xbf16, #tpu.memory_space<vmem>>, %arg8: memref<10000x1xf32, #tpu.memory_space<vmem>>) attributes {dimension_semantics = [#tpu.dimension_semantics<arbitrary>], iteration_bounds = array<i64: 25>, scalar_prefetch = 0 : i64, scratch_operands = 2 : i64, tpu.core_type = #tpu.core_type<tc>, window_params = [{transform_indices = @transform_0, window_bounds = array<i64: 400, 10000>}, {pipeline_mode = #tpu.pipeline_mode<synchronous>, transform_indices = @transform_1, window_bounds = array<i64: 10000, 128>}, {pipeline_mode = #tpu.pipeline_mode<synchronous>, transform_indices = @transform_2, window_bounds = array<i64: 128, 16>}, {pipeline_mode = #tpu.pipeline_mode<synchronous>, transform_indices = @transform_3, window_bounds = array<i64: 1, 16>}, {pipeline_mode = #tpu.pipeline_mode<synchronous>, transform_indices = @transform_4, window_bounds = array<i64: 1, 10000>}, {pipeline_mode = #tpu.pipeline_mode<synchronous>, transform_indices = @transform_5, window_bounds = array<i64: 10000, 16>}]} {
    %eq3A = arith.constant 0 : i32
    %eq3A_0 = arith.cmpi eq, %arg0, %eq3A : i32
    %convert_element_type3A = arith.extui %eq3A_0 : i1 to i32
    %cond3A = arith.constant 0 : i32
    %cond3A_1 = arith.cmpi ne, %convert_element_type3A, %cond3A : i32
    scf.if %cond3A_1 {
      %broadcast_in_dim3A = arith.constant 1.000000e+00 : f32
      %broadcast_in_dim3A_20 = vector.broadcast %broadcast_in_dim3A : f32 to vector<1x1xf32>
      %get3A_21 = arith.constant 0 : index
      %get3A_22 = arith.constant 0 : index
      %get3A_23 = vector.load %arg5[%get3A_21, %get3A_22] : memref<1x10000xf32, #tpu.memory_space<vmem>>, vector<1x10000xf32>
      %dot_general3A_24 = arith.constant dense<0.000000e+00> : vector<10000x1xf32>
      %dot_general3A_25 = tpu.matmul %get3A_23, %broadcast_in_dim3A_20, %dot_general3A_24 {dimension_numbers = #tpu.dot_dimension_numbers<[0], [0], [1], [1], [0, 1, 1, 1], [], []>, transpose_lhs_hint = false} : vector<1x10000xf32>, vector<1x1xf32>, vector<10000x1xf32> -> vector<10000x1xf32>
      %swap3A_26 = arith.constant 0 : index
      %swap3A_27 = arith.constant 0 : index
      %swap3A_28 = vector.load %arg8[%swap3A_26, %swap3A_27] : memref<10000x1xf32, #tpu.memory_space<vmem>>, vector<10000x1xf32>
      tpu.vector_store %arg8[%swap3A_26, %swap3A_27], %dot_general3A_25 {strides = array<i32>} : memref<10000x1xf32, #tpu.memory_space<vmem>>, vector<10000x1xf32>,
      %get3A_29 = arith.constant 0 : index
      %get3A_30 = arith.constant 0 : index
      %get3A_31 = vector.load %arg8[%get3A_29, %get3A_30] : memref<10000x1xf32, #tpu.memory_space<vmem>>, vector<10000x1xf32>
      %get3A_32 = arith.constant 0 : index
      %get3A_33 = arith.constant 0 : index
      %get3A_34 = vector.load %arg2[%get3A_32, %get3A_33] : memref<10000x128xf32, #tpu.memory_space<vmem>>, vector<10000x128xf32>
      %get3A_35 = arith.constant 0 : index
      %get3A_36 = arith.constant 0 : index
      %get3A_37 = vector.load %arg3[%get3A_35, %get3A_36] : memref<128x16xf32, #tpu.memory_space<vmem>>, vector<128x16xf32>
      %dot_general3A_38 = arith.constant dense<0.000000e+00> : vector<10000x16xf32>
      %dot_general3A_39 = tpu.matmul %get3A_34, %get3A_37, %dot_general3A_38 {dimension_numbers = #tpu.dot_dimension_numbers<[1], [0], [0], [1], [0, 0, 1, 1], [], []>, transpose_lhs_hint = false} : vector<10000x128xf32>, vector<128x16xf32>, vector<10000x16xf32> -> vector<10000x16xf32>
      %mul3A_40 = vector.broadcast %get3A_31 : vector<10000x1xf32> to vector<10000x16xf32>
      %mul3A_41 = arith.mulf %mul3A_40, %dot_general3A_39 : vector<10000x16xf32>
      %convert_element_type3A_42 = arith.truncf %mul3A_41 : vector<10000x16xf32> to vector<10000x16xbf16>
      %swap3A_43 = arith.constant 0 : index
      %swap3A_44 = arith.constant 0 : index
      %swap3A_45 = vector.load %arg7[%swap3A_43, %swap3A_44] : memref<10000x16xbf16, #tpu.memory_space<vmem>>, vector<10000x16xbf16>
      tpu.vector_store %arg7[%swap3A_43, %swap3A_44], %convert_element_type3A_42 {strides = array<i32>} : memref<10000x16xbf16, #tpu.memory_space<vmem>>, vector<10000x16xbf16>,
      %broadcast_in_dim3A_46 = arith.constant 0.000000e+00 : f32
      %broadcast_in_dim3A_47 = vector.broadcast %broadcast_in_dim3A_46 : f32 to vector<10000x16xf32>
      %swap3A_48 = arith.constant 0 : index
      %swap3A_49 = arith.constant 0 : index
      %swap3A_50 = vector.load %arg6[%swap3A_48, %swap3A_49] : memref<10000x16xf32, #tpu.memory_space<vmem>>, vector<10000x16xf32>
      tpu.vector_store %arg6[%swap3A_48, %swap3A_49], %broadcast_in_dim3A_47 {strides = array<i32>} : memref<10000x16xf32, #tpu.memory_space<vmem>>, vector<10000x16xf32>,
    } else {
    }
    %mul3A = arith.constant 400 : i32
    %mul3A_2 = arith.muli %arg0, %mul3A : i32
    %get3A = arith.index_cast %mul3A_2 : i32 to index
    %get3A_3 = arith.constant 0 : index
    %get3A_4 = vector.load %arg7[%get3A, %get3A_3] : memref<10000x16xbf16, #tpu.memory_space<vmem>>, vector<400x16xbf16>
    %get3A_5 = arith.constant 0 : index
    %get3A_6 = arith.constant 0 : index
    %get3A_7 = vector.load %arg6[%get3A_5, %get3A_6] : memref<10000x16xf32, #tpu.memory_space<vmem>>, vector<10000x16xf32>
    %get3A_8 = arith.constant 0 : index
    %get3A_9 = arith.constant 0 : index
    %get3A_10 = vector.load %arg1[%get3A_8, %get3A_9] : memref<400x10000xi8, #tpu.memory_space<vmem>>, vector<400x10000xi8>
    %convert_element_type3A_11 = arith.sitofp %get3A_10 : vector<400x10000xi8> to vector<400x10000xbf16>
    %dot_general3A = arith.constant dense<0.000000e+00> : vector<10000x16xf32>
    %dot_general3A_12 = tpu.matmul %convert_element_type3A_11, %get3A_4, %dot_general3A {dimension_numbers = #tpu.dot_dimension_numbers<[0], [0], [1], [1], [0, 1, 1, 1], [], []>, transpose_lhs_hint = false} : vector<400x10000xbf16>, vector<400x16xbf16>, vector<10000x16xf32> -> vector<10000x16xf32>
    %add3A = arith.addf %get3A_7, %dot_general3A_12 : vector<10000x16xf32>
    %swap3A = arith.constant 0 : index
    %swap3A_13 = arith.constant 0 : index
    %swap3A_14 = vector.load %arg6[%swap3A, %swap3A_13] : memref<10000x16xf32, #tpu.memory_space<vmem>>, vector<10000x16xf32>
    tpu.vector_store %arg6[%swap3A, %swap3A_13], %add3A {strides = array<i32>} : memref<10000x16xf32, #tpu.memory_space<vmem>>, vector<10000x16xf32>,
    %eq3A_15 = arith.constant 24 : i32
    %eq3A_16 = arith.cmpi eq, %arg0, %eq3A_15 : i32
    %convert_element_type3A_17 = arith.extui %eq3A_16 : i1 to i32
    %cond3A_18 = arith.constant 0 : i32
    %cond3A_19 = arith.cmpi ne, %convert_element_type3A_17, %cond3A_18 : i32
    scf.if %cond3A_19 {
      %get3A_20 = arith.constant 0 : index
      %get3A_21 = arith.constant 0 : index
      %get3A_22 = vector.load %arg8[%get3A_20, %get3A_21] : memref<10000x1xf32, #tpu.memory_space<vmem>>, vector<10000x1xf32>
      %get3A_23 = arith.constant 0 : index
      %get3A_24 = arith.constant 0 : index
      %get3A_25 = vector.load %arg6[%get3A_23, %get3A_24] : memref<10000x16xf32, #tpu.memory_space<vmem>>, vector<10000x16xf32>
      %get3A_26 = arith.constant 0 : index
      %get3A_27 = arith.constant 0 : index
      %get3A_28 = vector.load %arg7[%get3A_26, %get3A_27] : memref<10000x16xbf16, #tpu.memory_space<vmem>>, vector<10000x16xbf16>
      %convert_element_type3A_29 = arith.extf %get3A_28 : vector<10000x16xbf16> to vector<10000x16xf32>
      %add3A_30 = arith.addf %get3A_25, %convert_element_type3A_29 : vector<10000x16xf32>
      %mul3A_31 = vector.broadcast %get3A_22 : vector<10000x1xf32> to vector<10000x16xf32>
      %mul3A_32 = arith.mulf %mul3A_31, %add3A_30 : vector<10000x16xf32>
      %get3A_33 = arith.constant 0 : index
      %get3A_34 = arith.constant 0 : index
      %get3A_35 = vector.load %arg4[%get3A_33, %get3A_34] : memref<1x16xf32, #tpu.memory_space<vmem>>, vector<1x16xf32>
      %add3A_36 = vector.broadcast %get3A_35 : vector<1x16xf32> to vector<10000x16xf32>
      %add3A_37 = arith.addf %mul3A_32, %add3A_36 : vector<10000x16xf32>
      %mul3A_38 = arith.constant 5.000000e+00 : f32
      %mul3A_39 = vector.broadcast %mul3A_38 : f32 to vector<10000x16xf32>
      %mul3A_40 = arith.mulf %add3A_37, %mul3A_39 : vector<10000x16xf32>
      %reduce_max3A = arith.constant dense<0xFF800000> : vector<10000xf32>
      %reduce_max3A_41 = vector.multi_reduction <maximumf>, %mul3A_40, %reduce_max3A [1] : vector<10000x16xf32> to vector<10000xf32>
      %broadcast_in_dim3A = vector.shape_cast %reduce_max3A_41 : vector<10000xf32> to vector<10000x1xf32>
      %sub3A = vector.broadcast %broadcast_in_dim3A : vector<10000x1xf32> to vector<10000x16xf32>
      %sub3A_42 = arith.subf %mul3A_40, %sub3A : vector<10000x16xf32>
      %exp3A = math.exp %sub3A_42 : vector<10000x16xf32>
      %reduce_sum3A = arith.constant dense<0.000000e+00> : vector<10000xf32>
      %reduce_sum3A_43 = vector.multi_reduction <add>, %exp3A, %reduce_sum3A [1] : vector<10000x16xf32> to vector<10000xf32>
      %broadcast_in_dim3A_44 = vector.shape_cast %reduce_sum3A_43 : vector<10000xf32> to vector<10000x1xf32>
      %log3A = math.log %broadcast_in_dim3A_44 : vector<10000x1xf32>
      %sub3A_45 = vector.broadcast %log3A : vector<10000x1xf32> to vector<10000x16xf32>
      %sub3A_46 = arith.subf %sub3A_42, %sub3A_45 : vector<10000x16xf32>
      %swap3A_47 = arith.constant 0 : index
      %swap3A_48 = arith.constant 0 : index
      %swap3A_49 = vector.load %arg6[%swap3A_47, %swap3A_48] : memref<10000x16xf32, #tpu.memory_space<vmem>>, vector<10000x16xf32>
      tpu.vector_store %arg6[%swap3A_47, %swap3A_48], %sub3A_46 {strides = array<i32>} : memref<10000x16xf32, #tpu.memory_space<vmem>>, vector<10000x16xf32>,
    } else {
    }
    return
  }
  func.func @transform_0(%arg0: i32) -> (i32, i32) {
    %c0_i32 = arith.constant 0 : i32
    %c0_i32_0 = arith.constant 0 : i32
    return %arg0, %c0_i32 : i32, i32
  }
  func.func @transform_1(%arg0: i32) -> (i32, i32) {
    %c0_i32 = arith.constant 0 : i32
    %c0_i32_0 = arith.constant 0 : i32
    %c0_i32_1 = arith.constant 0 : i32
    return %c0_i32, %c0_i32_0 : i32, i32
  }
  func.func @transform_2(%arg0: i32) -> (i32, i32) {
    %c0_i32 = arith.constant 0 : i32
    %c0_i32_0 = arith.constant 0 : i32
    %c0_i32_1 = arith.constant 0 : i32
    return %c0_i32, %c0_i32_0 : i32, i32
  }
  func.func @transform_3(%arg0: i32) -> (i32, i32) {
    %c0_i32 = arith.constant 0 : i32
    %c0_i32_0 = arith.constant 0 : i32
    %c0_i32_1 = arith.constant 0 : i32
    return %c0_i32, %c0_i32_0 : i32, i32
  }
  func.func @transform_4(%arg0: i32) -> (i32, i32) {
    %c0_i32 = arith.constant 0 : i32
    %c0_i32_0 = arith.constant 0 : i32
    %c0_i32_1 = arith.constant 0 : i32
    return %c0_i32, %c0_i32_0 : i32, i32
  }
  func.func @transform_5(%arg0: i32) -> (i32, i32) {
    %c0_i32 = arith.constant 0 : i32
    %c0_i32_0 = arith.constant 0 : i32
    %c0_i32_1 = arith.constant 0 : i32
    return %c0_i32, %c0_i32_0 : i32, i32
  }
}

module attributes {stable_mosaic.version = 14 : i64} {
  func.func @_gcn_kernel(%arg0: i32, %arg1: memref<400x10000xi8, #tpu.memory_space<vmem>>, %arg2: memref<10000x128xf32, #tpu.memory_space<vmem>>, %arg3: memref<128x128xf32, #tpu.memory_space<vmem>>, %arg4: memref<1x128xf32, #tpu.memory_space<vmem>>, %arg5: memref<1x10000xf32, #tpu.memory_space<vmem>>, %arg6: memref<10000x128xf32, #tpu.memory_space<vmem>>, %arg7: memref<10000x128xbf16, #tpu.memory_space<vmem>>, %arg8: memref<10000x1xf32, #tpu.memory_space<vmem>>) attributes {dimension_semantics = [#tpu.dimension_semantics<arbitrary>], iteration_bounds = array<i64: 25>, scalar_prefetch = 0 : i64, scratch_operands = 2 : i64, tpu.core_type = #tpu.core_type<tc>, window_params = [{transform_indices = @transform_0, window_bounds = array<i64: 400, 10000>}, {pipeline_mode = #tpu.pipeline_mode<synchronous>, transform_indices = @transform_1, window_bounds = array<i64: 10000, 128>}, {pipeline_mode = #tpu.pipeline_mode<synchronous>, transform_indices = @transform_2, window_bounds = array<i64: 128, 128>}, {pipeline_mode = #tpu.pipeline_mode<synchronous>, transform_indices = @transform_3, window_bounds = array<i64: 1, 128>}, {pipeline_mode = #tpu.pipeline_mode<synchronous>, transform_indices = @transform_4, window_bounds = array<i64: 1, 10000>}, {pipeline_mode = #tpu.pipeline_mode<synchronous>, transform_indices = @transform_5, window_bounds = array<i64: 10000, 128>}]} {
    %eq3A = arith.constant 0 : i32
    %eq3A_0 = arith.cmpi eq, %arg0, %eq3A : i32
    %convert_element_type3A = arith.extui %eq3A_0 : i1 to i32
    %cond3A = arith.constant 0 : i32
    %cond3A_1 = arith.cmpi ne, %convert_element_type3A, %cond3A : i32
    scf.if %cond3A_1 {
      %broadcast_in_dim3A = arith.constant 1.000000e+00 : f32
      %broadcast_in_dim3A_20 = vector.broadcast %broadcast_in_dim3A : f32 to vector<1x1xf32>
      %get3A_21 = arith.constant 0 : index
      %get3A_22 = arith.constant 0 : index
      %get3A_23 = vector.load %arg5[%get3A_21, %get3A_22] : memref<1x10000xf32, #tpu.memory_space<vmem>>, vector<1x10000xf32>
      %dot_general3A_24 = arith.constant dense<0.000000e+00> : vector<10000x1xf32>
      %dot_general3A_25 = tpu.matmul %get3A_23, %broadcast_in_dim3A_20, %dot_general3A_24 {dimension_numbers = #tpu.dot_dimension_numbers<[0], [0], [1], [1], [0, 1, 1, 1], [], []>, transpose_lhs_hint = false} : vector<1x10000xf32>, vector<1x1xf32>, vector<10000x1xf32> -> vector<10000x1xf32>
      %swap3A_26 = arith.constant 0 : index
      %swap3A_27 = arith.constant 0 : index
      %swap3A_28 = vector.load %arg8[%swap3A_26, %swap3A_27] : memref<10000x1xf32, #tpu.memory_space<vmem>>, vector<10000x1xf32>
      tpu.vector_store %arg8[%swap3A_26, %swap3A_27], %dot_general3A_25 {strides = array<i32>} : memref<10000x1xf32, #tpu.memory_space<vmem>>, vector<10000x1xf32>,
      %get3A_29 = arith.constant 0 : index
      %get3A_30 = arith.constant 0 : index
      %get3A_31 = vector.load %arg8[%get3A_29, %get3A_30] : memref<10000x1xf32, #tpu.memory_space<vmem>>, vector<10000x1xf32>
      %get3A_32 = arith.constant 0 : index
      %get3A_33 = arith.constant 0 : index
      %get3A_34 = vector.load %arg2[%get3A_32, %get3A_33] : memref<10000x128xf32, #tpu.memory_space<vmem>>, vector<10000x128xf32>
      %get3A_35 = arith.constant 0 : index
      %get3A_36 = arith.constant 0 : index
      %get3A_37 = vector.load %arg3[%get3A_35, %get3A_36] : memref<128x128xf32, #tpu.memory_space<vmem>>, vector<128x128xf32>
      %dot_general3A_38 = arith.constant dense<0.000000e+00> : vector<10000x128xf32>
      %dot_general3A_39 = tpu.matmul %get3A_34, %get3A_37, %dot_general3A_38 {dimension_numbers = #tpu.dot_dimension_numbers<[1], [0], [0], [1], [0, 0, 1, 1], [], []>, transpose_lhs_hint = false} : vector<10000x128xf32>, vector<128x128xf32>, vector<10000x128xf32> -> vector<10000x128xf32>
      %mul3A_40 = vector.broadcast %get3A_31 : vector<10000x1xf32> to vector<10000x128xf32>
      %mul3A_41 = arith.mulf %mul3A_40, %dot_general3A_39 : vector<10000x128xf32>
      %convert_element_type3A_42 = arith.truncf %mul3A_41 : vector<10000x128xf32> to vector<10000x128xbf16>
      %swap3A_43 = arith.constant 0 : index
      %swap3A_44 = arith.constant 0 : index
      %swap3A_45 = vector.load %arg7[%swap3A_43, %swap3A_44] : memref<10000x128xbf16, #tpu.memory_space<vmem>>, vector<10000x128xbf16>
      tpu.vector_store %arg7[%swap3A_43, %swap3A_44], %convert_element_type3A_42 {strides = array<i32>} : memref<10000x128xbf16, #tpu.memory_space<vmem>>, vector<10000x128xbf16>,
      %broadcast_in_dim3A_46 = arith.constant 0.000000e+00 : f32
      %broadcast_in_dim3A_47 = vector.broadcast %broadcast_in_dim3A_46 : f32 to vector<10000x128xf32>
      %swap3A_48 = arith.constant 0 : index
      %swap3A_49 = arith.constant 0 : index
      %swap3A_50 = vector.load %arg6[%swap3A_48, %swap3A_49] : memref<10000x128xf32, #tpu.memory_space<vmem>>, vector<10000x128xf32>
      tpu.vector_store %arg6[%swap3A_48, %swap3A_49], %broadcast_in_dim3A_47 {strides = array<i32>} : memref<10000x128xf32, #tpu.memory_space<vmem>>, vector<10000x128xf32>,
    } else {
    }
    %mul3A = arith.constant 400 : i32
    %mul3A_2 = arith.muli %arg0, %mul3A : i32
    %get3A = arith.index_cast %mul3A_2 : i32 to index
    %get3A_3 = arith.constant 0 : index
    %get3A_4 = vector.load %arg7[%get3A, %get3A_3] : memref<10000x128xbf16, #tpu.memory_space<vmem>>, vector<400x128xbf16>
    %get3A_5 = arith.constant 0 : index
    %get3A_6 = arith.constant 0 : index
    %get3A_7 = vector.load %arg6[%get3A_5, %get3A_6] : memref<10000x128xf32, #tpu.memory_space<vmem>>, vector<10000x128xf32>
    %get3A_8 = arith.constant 0 : index
    %get3A_9 = arith.constant 0 : index
    %get3A_10 = vector.load %arg1[%get3A_8, %get3A_9] : memref<400x10000xi8, #tpu.memory_space<vmem>>, vector<400x10000xi8>
    %convert_element_type3A_11 = arith.sitofp %get3A_10 : vector<400x10000xi8> to vector<400x10000xbf16>
    %dot_general3A = arith.constant dense<0.000000e+00> : vector<10000x128xf32>
    %dot_general3A_12 = tpu.matmul %convert_element_type3A_11, %get3A_4, %dot_general3A {dimension_numbers = #tpu.dot_dimension_numbers<[0], [0], [1], [1], [0, 1, 1, 1], [], []>, transpose_lhs_hint = false} : vector<400x10000xbf16>, vector<400x128xbf16>, vector<10000x128xf32> -> vector<10000x128xf32>
    %add3A = arith.addf %get3A_7, %dot_general3A_12 : vector<10000x128xf32>
    %swap3A = arith.constant 0 : index
    %swap3A_13 = arith.constant 0 : index
    %swap3A_14 = vector.load %arg6[%swap3A, %swap3A_13] : memref<10000x128xf32, #tpu.memory_space<vmem>>, vector<10000x128xf32>
    tpu.vector_store %arg6[%swap3A, %swap3A_13], %add3A {strides = array<i32>} : memref<10000x128xf32, #tpu.memory_space<vmem>>, vector<10000x128xf32>,
    %eq3A_15 = arith.constant 24 : i32
    %eq3A_16 = arith.cmpi eq, %arg0, %eq3A_15 : i32
    %convert_element_type3A_17 = arith.extui %eq3A_16 : i1 to i32
    %cond3A_18 = arith.constant 0 : i32
    %cond3A_19 = arith.cmpi ne, %convert_element_type3A_17, %cond3A_18 : i32
    scf.if %cond3A_19 {
      %get3A_20 = arith.constant 0 : index
      %get3A_21 = arith.constant 0 : index
      %get3A_22 = vector.load %arg8[%get3A_20, %get3A_21] : memref<10000x1xf32, #tpu.memory_space<vmem>>, vector<10000x1xf32>
      %get3A_23 = arith.constant 0 : index
      %get3A_24 = arith.constant 0 : index
      %get3A_25 = vector.load %arg6[%get3A_23, %get3A_24] : memref<10000x128xf32, #tpu.memory_space<vmem>>, vector<10000x128xf32>
      %get3A_26 = arith.constant 0 : index
      %get3A_27 = arith.constant 0 : index
      %get3A_28 = vector.load %arg7[%get3A_26, %get3A_27] : memref<10000x128xbf16, #tpu.memory_space<vmem>>, vector<10000x128xbf16>
      %convert_element_type3A_29 = arith.extf %get3A_28 : vector<10000x128xbf16> to vector<10000x128xf32>
      %add3A_30 = arith.addf %get3A_25, %convert_element_type3A_29 : vector<10000x128xf32>
      %mul3A_31 = vector.broadcast %get3A_22 : vector<10000x1xf32> to vector<10000x128xf32>
      %mul3A_32 = arith.mulf %mul3A_31, %add3A_30 : vector<10000x128xf32>
      %get3A_33 = arith.constant 0 : index
      %get3A_34 = arith.constant 0 : index
      %get3A_35 = vector.load %arg4[%get3A_33, %get3A_34] : memref<1x128xf32, #tpu.memory_space<vmem>>, vector<1x128xf32>
      %add3A_36 = vector.broadcast %get3A_35 : vector<1x128xf32> to vector<10000x128xf32>
      %add3A_37 = arith.addf %mul3A_32, %add3A_36 : vector<10000x128xf32>
      %max3A = arith.constant 0.000000e+00 : f32
      %max3A_38 = vector.broadcast %max3A : f32 to vector<10000x128xf32>
      %max3A_39 = arith.maximumf %add3A_37, %max3A_38 : vector<10000x128xf32>
      %swap3A_40 = arith.constant 0 : index
      %swap3A_41 = arith.constant 0 : index
      %swap3A_42 = vector.load %arg6[%swap3A_40, %swap3A_41] : memref<10000x128xf32, #tpu.memory_space<vmem>>, vector<10000x128xf32>
      tpu.vector_store %arg6[%swap3A_40, %swap3A_41], %max3A_39 {strides = array<i32>} : memref<10000x128xf32, #tpu.memory_space<vmem>>, vector<10000x128xf32>,
    } else {
    }
    return
  }
  func.func @transform_0(%arg0: i32) -> (i32, i32) {
    %c0_i32 = arith.constant 0 : i32
    %c0_i32_0 = arith.constant 0 : i32
    return %arg0, %c0_i32 : i32, i32
  }
  func.func @transform_1(%arg0: i32) -> (i32, i32) {
    %c0_i32 = arith.constant 0 : i32
    %c0_i32_0 = arith.constant 0 : i32
    %c0_i32_1 = arith.constant 0 : i32
    return %c0_i32, %c0_i32_0 : i32, i32
  }
  func.func @transform_2(%arg0: i32) -> (i32, i32) {
    %c0_i32 = arith.constant 0 : i32
    %c0_i32_0 = arith.constant 0 : i32
    %c0_i32_1 = arith.constant 0 : i32
    return %c0_i32, %c0_i32_0 : i32, i32
  }
  func.func @transform_3(%arg0: i32) -> (i32, i32) {
    %c0_i32 = arith.constant 0 : i32
    %c0_i32_0 = arith.constant 0 : i32
    %c0_i32_1 = arith.constant 0 : i32
    return %c0_i32, %c0_i32_0 : i32, i32
  }
  func.func @transform_4(%arg0: i32) -> (i32, i32) {
    %c0_i32 = arith.constant 0 : i32
    %c0_i32_0 = arith.constant 0 : i32
    %c0_i32_1 = arith.constant 0 : i32
    return %c0_i32, %c0_i32_0 : i32, i32
  }
  func.func @transform_5(%arg0: i32) -> (i32, i32) {
    %c0_i32 = arith.constant 0 : i32
    %c0_i32_0 = arith.constant 0 : i32
    %c0_i32_1 = arith.constant 0 : i32
    return %c0_i32, %c0_i32_0 : i32, i32
  }
}

module attributes {stable_mosaic.version = 14 : i64} {
  func.func @_prep_kernel(%arg0: i32, %arg1: memref<400x10000xf32, #tpu.memory_space<vmem>>, %arg2: memref<32x10240xf32, #tpu.memory_space<vmem>>, %arg3: memref<400x10000xi8, #tpu.memory_space<vmem>>, %arg4: memref<1x10000xf32, #tpu.memory_space<vmem>>) attributes {dimension_semantics = [#tpu.dimension_semantics<arbitrary>], iteration_bounds = array<i64: 25>, scalar_prefetch = 0 : i64, scratch_operands = 0 : i64, tpu.core_type = #tpu.core_type<tc>, window_params = [{transform_indices = @transform_0, window_bounds = array<i64: 400, 10000>}, {pipeline_mode = #tpu.pipeline_mode<synchronous>, transform_indices = @transform_1, window_bounds = array<i64: 32, 10240>}, {transform_indices = @transform_2, window_bounds = array<i64: 400, 10000>}, {pipeline_mode = #tpu.pipeline_mode<synchronous>, transform_indices = @transform_3, window_bounds = array<i64: 1, 10000>}]} {
    %get3A = arith.constant 0 : index
    %get3A_0 = arith.constant 0 : index
    %get3A_1 = vector.load %arg1[%get3A, %get3A_0] : memref<400x10000xf32, #tpu.memory_space<vmem>>, vector<400x10000xf32>
    %convert_element_type3A = arith.fptosi %get3A_1 : vector<400x10000xf32> to vector<400x10000xi8>
    %swap3A = arith.constant 0 : index
    %swap3A_2 = arith.constant 0 : index
    %swap3A_3 = vector.load %arg3[%swap3A, %swap3A_2] : memref<400x10000xi8, #tpu.memory_space<vmem>>, vector<400x10000xi8>
    tpu.vector_store %arg3[%swap3A, %swap3A_2], %convert_element_type3A {strides = array<i32>} : memref<400x10000xi8, #tpu.memory_space<vmem>>, vector<400x10000xi8>,
    %eq3A = arith.constant 0 : i32
    %eq3A_4 = arith.cmpi eq, %arg0, %eq3A : i32
    %convert_element_type3A_5 = arith.extui %eq3A_4 : i1 to i32
    %cond3A = arith.constant 0 : i32
    %cond3A_6 = arith.cmpi ne, %convert_element_type3A_5, %cond3A : i32
    scf.if %cond3A_6 {
      %get3A_7 = arith.constant 0 : index
      %get3A_8 = arith.constant 0 : index
      %get3A_9 = vector.load %arg2[%get3A_7, %get3A_8] : memref<32x10240xf32, #tpu.memory_space<vmem>>, vector<32x10000xf32>
      %reduce_sum3A = arith.constant dense<0.000000e+00> : vector<10000xf32>
      %reduce_sum3A_10 = vector.multi_reduction <add>, %get3A_9, %reduce_sum3A [0] : vector<32x10000xf32> to vector<10000xf32>
      %broadcast_in_dim3A = vector.shape_cast %reduce_sum3A_10 : vector<10000xf32> to vector<1x10000xf32>
      %add3A = arith.constant 1.000000e+00 : f32
      %add3A_11 = vector.broadcast %add3A : f32 to vector<1x10000xf32>
      %add3A_12 = arith.addf %add3A_11, %broadcast_in_dim3A : vector<1x10000xf32>
      %gt3A = arith.constant 0.000000e+00 : f32
      %gt3A_13 = vector.broadcast %gt3A : f32 to vector<1x10000xf32>
      %gt3A_14 = arith.cmpf ogt, %add3A_12, %gt3A_13 : vector<1x10000xf32>
      %rsqrt3A = math.rsqrt %add3A_12 : vector<1x10000xf32>
      %jit3A = arith.constant 0.000000e+00 : f32
      %broadcast_in_dim3A_15 = vector.broadcast %jit3A : f32 to vector<1x10000xf32>
      %select_n3A = arith.select %gt3A_14, %rsqrt3A, %broadcast_in_dim3A_15 : vector<1x10000xi1>, vector<1x10000xf32>
      %swap3A_16 = arith.constant 0 : index
      %swap3A_17 = arith.constant 0 : index
      %swap3A_18 = vector.load %arg4[%swap3A_16, %swap3A_17] : memref<1x10000xf32, #tpu.memory_space<vmem>>, vector<1x10000xf32>
      tpu.vector_store %arg4[%swap3A_16, %swap3A_17], %select_n3A {strides = array<i32>} : memref<1x10000xf32, #tpu.memory_space<vmem>>, vector<1x10000xf32>,
    } else {
    }
    return
  }
  func.func @transform_0(%arg0: i32) -> (i32, i32) {
    %c0_i32 = arith.constant 0 : i32
    %c0_i32_0 = arith.constant 0 : i32
    return %arg0, %c0_i32 : i32, i32
  }
  func.func @transform_1(%arg0: i32) -> (i32, i32) {
    %c0_i32 = arith.constant 0 : i32
    %c0_i32_0 = arith.constant 0 : i32
    %c0_i32_1 = arith.constant 0 : i32
    return %c0_i32, %c0_i32_0 : i32, i32
  }
  func.func @transform_2(%arg0: i32) -> (i32, i32) {
    %c0_i32 = arith.constant 0 : i32
    %c0_i32_0 = arith.constant 0 : i32
    return %arg0, %c0_i32 : i32, i32
  }
  func.func @transform_3(%arg0: i32) -> (i32, i32) {
    %c0_i32 = arith.constant 0 : i32
    %c0_i32_0 = arith.constant 0 : i32
    %c0_i32_1 = arith.constant 0 : i32
    return %c0_i32, %c0_i32_0 : i32, i32
  }
}

</mosaic_0001>

<sc_bundles>
// kernel: kernel.6.cloned.1.call-start
scs
__scs_entry_jumppad:
0x0: {  	(pc) =	sbr.rel $0x88, $3  }
0x1: {  	(tag) =	ssettag $0x0;
	lr =	simm.s32 $0x1  }
0x2: {  	[smem:$0x3F9B] =	sst lr;
	_ =	strace $0xD0000000  }
0x3: {  	_ = 	snop  }
0x4: {  	_ = 	snop  }
0x5: {  	_ = 	snop  }
0x6: {  	_ = 	snop  }
0x7: {  	_ = 	snop  }
__scs_overlays_trampoline_lowered:
0x8: {  	[smem:$0x3FAA] =	sst s0  }
0x9: {  	[smem:$0x3FAB] =	sst s1  }
0xa: {  	[smem:$0x3FAC] =	sst s2  }
0xb: {  	[smem:$0x3FAD] =	sst s3  }
0xc: {  	[smem:$0x3FAE] =	sst s4  }
0xd: {  	[smem:$0x3FAF] =	sst s5  }
0xe: {  	[smem:$0x3FB0] =	sst s6  }
0xf: {  	[smem:$0x3FB1] =	sst s7  }
0x10: {  	[smem:$0x3FB2] =	sst s8  }
0x11: {  	[smem:$0x3FB3] =	sst s9;
	s0 =	simm.s32 @!p0 $0x0  }
0x12: {  	s1 =	sld [smem:$0x3F99];
	s0 =	simm.s32 @p0 $0x1  }
0x13: {  	[smem:$0x3FB4] =	sst s0;
	s0 =	simm.s32 @!p1 $0x0  }
0x14: {  	s2 =	sld [smem:$0x3F98];
	s0 =	simm.s32 @p1 $0x1  }
0x15: {  	[smem:$0x3FB5] =	sst s0;
	s0 =	simm.s32 @!p2 $0x0  }
0x16: {  	s3 =	sld [smem:$0x3FDB];
	s0 =	simm.s32 @p2 $0x1  }
0x17: {  	s4 =	simm.s32 $0x1BF5;
	[smem:$0x3FB7] =	sst s0  }
0x18: {  	s0 =	sld [smem:$0x3F9A];
	_ =	swait.ge [sflag:s4], $0x0  }
0x19: {  	s7 =	sld [smem:$0x3F9B]  }
0x1a: {  	s8 =	sadd.s32 $0xFFFFE003, lr  }
0x1b: {  	s9 =	sadd.s32 $0xFFFFFEF7, lr;
	s5 =	simm.s32 $0xFFFFFFFF;
	p2 =	slt.u32 s8, $0xFFFFF086  }
0x1c: {  	p1 =	slt.u32 s9, $0xF7A;
	s5 =	simm.s32 @!p2 $0x0  }
0x1d: {  	s5 =	simm.s32 @p1 $0x1;
	p0 =	seq.s32 s7, s2  }
0x1e: {  	s7 =	smul.u32 @!p0 $0xF7A, s2;
	p2 =	seq.s32 @!p0 s5, $0x0  }
0x1f: {  	s9 =	smul.u32 $0xF7A, s1;
	s8 =	simm.s32 @!p0 $0x1BF5;
	p2 =	por !p2, p0  }
0x20: {  	[sflag:s8] =	ssyncset.s32 @!p0 $0xFFFFF086;
	s6 =	sadd.s32 @!p0 s3, s7;
	s7 =	simm.s32 @!p0 $0x108  }
0x21: {  	s3 =	sadd.s32 s3, s9;
	s6 =	sadd.s32 @!p0 $0x88, s6;
	s7 =	simm.s32 @p2 $0x1082  }
0x22: {  	[simem:s7], [sflag:s8] =	dma.local @!p0 [hbm:s6], $0xF7A  }
0x23: {  	s9 =	sor.u32 $0xD0000000, s2;
	s6 =	simm.s32 $0x108;
	_ =	swait.ge @!p0 [sflag:s8], $0x0  }
0x24: {  	s3 =	sadd.s32 $0x88, s3;
	s6 =	simm.s32 @!p1 $0x1082;
	[sflag:s4] =	ssyncset.s32 $0xFFFFF086  }
0x25: {  	[simem:s6], [sflag:s4] =	dma.local [hbm:s3], $0xF7A  }
0x26: {  	[smem:$0x3F9B] =	sst s1;
	(tag) =	ssettag s2;
	_ =	strace s9  }
0x27: {  	s1 =	sld [smem:$0x3FAB]  }
0x28: {  	s2 =	sld [smem:$0x3FAC]  }
0x29: {  	s4 =	sld [smem:$0x3FAE]  }
0x2a: {  	p0 =	seq.s32 s5, $0x0;
	s5 =	sld [smem:$0x3FAF]  }
0x2b: {  	s6 =	sld [smem:$0x3FB0]  }
0x2c: {  	s7 =	sld [smem:$0x3FB1]  }
0x2d: {  	s3 =	simm.s32 $0x108;
	s8 =	sld [smem:$0x3FB2]  }
0x2e: {  	s3 =	simm.s32 @!p0 $0x1082;
	s9 =	sld [smem:$0x3FB3]  }
0x2f: {  	lr =	sadd.s32 s0, s3;
	s0 =	sld [smem:$0x3FAA]  }
0x30: {  	s3 =	sld [smem:$0x3FAD]  }
0x31: {  	[smem:$0x3FB6] =	sst s10  }
0x32: {  	s10 =	sld [smem:$0x3FB4];
	_ =	sdelay $0x3  }
0x33: {  	p0 =	seq.s32 s10, $0x1;
	s10 =	sld [smem:$0x3FB6];
	_ =	sdelay $0x3  }
0x34: {  	[smem:$0x3FB6] =	sst s10  }
0x35: {  	s10 =	sld [smem:$0x3FB5];
	_ =	sdelay $0x3  }
0x36: {  	p1 =	seq.s32 s10, $0x1;
	s10 =	sld [smem:$0x3FB6];
	_ =	sdelay $0x3  }
0x37: {  	[smem:$0x3FB6] =	sst s10  }
0x38: {  	s10 =	sld [smem:$0x3FB7]  }
0x39: {  	_ = 	snop;
	(pc) =	sbr.ind lr, $3  }
0x3a: {  	_ = 	snop  }
0x3b: {  	_ = 	snop  }
0x3c: {  	p2 =	seq.s32 s10, $0x1;
	s10 =	sld [smem:$0x3FB6]  }
0x3d: {  	_ =	shalt  }
0x3e: {  	_ =	shalt  }
0x3f: {  	_ =	shalt  }
0x40: {  	_ =	shalt  }
0x41: {  	_ =	shalt  }
0x42: {  	_ =	shalt  }
0x43: {  	_ =	shalt  }
0x44: {  	_ =	shalt  }
0x45: {  	_ =	shalt  }
0x46: {  	_ =	shalt  }
0x47: {  	_ =	shalt  }
0x48: {  	_ =	shalt  }
0x49: {  	_ =	shalt  }
0x4a: {  	_ =	shalt  }
0x4b: {  	_ =	shalt  }
0x4c: {  	_ =	shalt  }
0x4d: {  	_ =	shalt  }
0x4e: {  	_ =	shalt  }
0x4f: {  	_ =	shalt  }
0x50: {  	_ =	shalt  }
0x51: {  	_ =	shalt  }
0x52: {  	_ =	shalt  }
0x53: {  	_ =	shalt  }
0x54: {  	_ =	shalt  }
0x55: {  	_ =	shalt  }
0x56: {  	_ =	shalt  }
0x57: {  	_ =	shalt  }
0x58: {  	_ =	shalt  }
0x59: {  	_ =	shalt  }
0x5a: {  	_ =	shalt  }
0x5b: {  	_ =	shalt  }
0x5c: {  	_ =	shalt  }
0x5d: {  	_ =	shalt  }
0x5e: {  	_ =	shalt  }
0x5f: {  	_ =	shalt  }
0x60: {  	_ =	shalt  }
0x61: {  	_ =	shalt  }
0x62: {  	_ =	shalt  }
0x63: {  	_ =	shalt  }
0x64: {  	_ =	shalt  }
0x65: {  	_ =	shalt  }
0x66: {  	_ =	shalt  }
0x67: {  	_ =	shalt  }
0x68: {  	_ =	shalt  }
0x69: {  	_ =	shalt  }
0x6a: {  	_ =	shalt  }
0x6b: {  	_ =	shalt  }
0x6c: {  	_ =	shalt  }
0x6d: {  	_ =	shalt  }
0x6e: {  	_ =	shalt  }
0x6f: {  	_ =	shalt  }
0x70: {  	_ =	shalt  }
0x71: {  	_ =	shalt  }
0x72: {  	_ =	shalt  }
0x73: {  	_ =	shalt  }
0x74: {  	_ =	shalt  }
0x75: {  	_ =	shalt  }
0x76: {  	_ =	shalt  }
0x77: {  	_ =	shalt  }
0x78: {  	_ =	shalt  }
0x79: {  	_ =	shalt  }
0x7a: {  	_ =	shalt  }
0x7b: {  	_ =	shalt  }
0x7c: {  	_ =	shalt  }
0x7d: {  	_ =	shalt  }
0x7e: {  	_ =	shalt  }
0x7f: {  	_ =	shalt  }
0x80: {  	_ =	shalt  }
0x81: {  	_ =	shalt  }
0x82: {  	_ =	shalt  }
0x83: {  	_ =	shalt  }
0x84: {  	_ =	shalt  }
0x85: {  	_ =	shalt  }
0x86: {  	_ =	shalt  }
0x87: {  	_ =	shalt  }
.Lfunc_end0:
.L_simem_size_0:
called_computation_lowered:
.L_overlay_start_0:
0x88: {  	s2 =	sld [smem:$0x3FD9]  }
0x89: {  	s3 =	sld [smem:$0x3FFE];
	_ =	sdelay $0x1  }
0x8a: {  	s1 =	srdreg.scid  }
0x8b: {  	s0 =	sand.u32 $0x1, s1  }
0x8c: {  	s17 =	sshll.u32 s0, $0xA;
	s2 =	sadd.s32 s3, s2  }
0x8d: {  	s2 =	sadd.s32 s2, s17  }
0x8e: {  	[smem:$0x3FC2] =	sst s2  }
0x8f: {  	_ = 	snop  }
0x90: {  	s2 =	sld [smem:$0x3FC8];
	(tm) =	ssettm $0x1  }
0x91: {  	s18 =	sld [smem:$0x3FFB];
	_ =	sdelay $0x3  }
0x92: {  	_ =	strace s18  }
0x93: {  	s3 =	sld [smem:$0x3FFC];
	_ =	sdelay $0x3  }
0x94: {  	_ =	strace s3  }
0x95: {  	s3 =	sld [smem:$0x3FFD];
	_ =	sdelay $0x3  }
0x96: {  	_ =	strace s3  }
0x97: {  	_ =	strace $0x8FFFFFFF  }
0x98: {  	s19 =	sld [smem:$0x3FDB];
	_ =	sdelay $0x1  }
0x99: {  	s4 =	simm.s32 $_scs_section_size  }
0x9a: {  	s5 =	simm.s32 $_size__tile_overlayer_lowered;
	s6 =	simm.s32 $_tile_overlayer_lowered  }
0x9b: {  	s22 =	simm.s32 $0x1BFF;
	s21 =	sshll.u32 s6, $0x1;
	s3 =	sadd.s32 s4, s19  }
0x9c: {  	s7 =	simm.s32 $0x0;
	s20 =	sshll.u32 s5, $0x1;
	s5 =	sadd.s32 s21, s3  }
0x9d: {  	[timem:s7], [sflag:s22] =	dma.local [hbm:s5], s20  }
0x9e: {  	_ =	swait.ge [sflag:s22], s20  }
0x9f: {  	s4 =	ssub.s32 $0x0, s20;
	[sflag:s22] =	ssyncset.done $0x0  }
0xa0: {  	[sflag:s22] =	ssyncadd.s32 s4;
	_ =	sdelay $0x1  }
0xa1: {  	s23 =	simm.s32 $0x1B8B  }
0xa2: {  	_ =	swait.ge [sflag:s23], $0x1  }
0xa3: {  	[sflag:s23] =	ssyncset.done $0x0  }
0xa4: {  	s25 =	simm.s32 $0x1B8E;
	s24 =	sld [smem:$0x3FFE];
	[sflag:s23] =	ssyncadd.s32 $0xFFFFFFFF  }
0xa5: {  	s26 =	simm.s32 $execute0_lowered;
	[smem:$0x3FD2] =	sst s25  }
0xa6: {  	s5 =	sshll.u32 s26, $0x1;
	_ =	strace $0x80000046;
	[dreg:$0x1] =	wrdreg $0xFFFFFFFF  }
0xa7: {  	s28 =	simm.s32 $_size_execute0_lowered;
	s3 =	sadd.s32 s3, s5;
	[dreg:$0x0] =	wrdreg $0x0  }
0xa8: {  	s5 =	sshll.u32 s28, $0x1;
	[dreg:$0x2] =	wrdreg s3  }
0xa9: {  	[dreg:$0x3] =	wrdreg s5  }
0xaa: {  	[dreg:$0x4] =	wrdreg $0xC0  }
0xab: {  	_ =	task [dreg:s7], $0x5FFFF  }
0xac: {  	[dreg:$0x1] =	wrdreg $0xFFFFFFFF  }
0xad: {  	[dreg:$0x0] =	wrdreg $0x60  }
0xae: {  	[dreg:$0x2] =	wrdreg s2  }
0xaf: {  	[dreg:$0x3] =	wrdreg s24  }
0xb0: {  	[dreg:$0x4] =	wrdreg $0x9  }
0xb1: {  	_ =	task.clear_ibuf [dreg:s7], $0x5FFFF;
	_ =	strace $0x90000046  }
0xb2: {  	s29 =	simm.s32 $0x9;
	_ =	strace $0x80000048  }
0xb3: {  	_ =	swait.ge [sflag:s29], $0x1  }
0xb4: {  	[sflag:s29] =	ssyncadd.s32 $0xFFFFFFFF  }
0xb5: {  	_ =	strace $0x90000048  }
0xb6: {  	_ =	sfence  }
0xb7: {  	s30 =	sld [smem:$0x0];
	_ =	sdelay $0x2  }
0xb8: {  	s31 =	sshll.u32 s1, $0xD;
	s1 =	sshrl.u32 s1, $0x2  }
0xb9: {  	s3 =	sand.u32 $0x4000, s31;
	s1 =	sadd.s32 s1, s30  }
0xba: {  	s0 =	sor.u32 s3, s0;
	s1 =	sshll.u32 s1, $0x11  }
0xbb: {  	s0 =	sor.u32 s1, s0  }
0xbc: {  	s0 =	sadd.s32 $0x8F2B, s0  }
0xbd: {  	[sflag:s0] =	ssyncadd.remote.s32 $0x1  }
0xbe: {  	_ =	sfence.sel $0xFFFF  }
0xbf: {  	[dreg:$0x0] =	wrdreg $0xFFFFFFFF;
	(pc) =	sbr.abs _section_cstart, $3  }
0xc0: {  	[dreg:$0x1] =	wrdreg $0xFFFFFFFF  }
0xc1: {  	_ =	task.clear_ibuf [dreg:s7], $0x2FFFF;
	_ =	strace $0x9FFFFFFF  }
0xc2: {  	(tm) =	ssettm $0x7FFFFFFF  }
0xc3: {  	_ =	shalt  }
tec
execute0_lowered:
.L_overlay_start_1:
0x0: {  	(tag) =	ssettag $0x1  }
0x1: {  	s0 =	srdreg.scid  }
0x2: {  	s4 =	sand.u32 $0x1, s0  }
0x3: {  	s0 =	stileid.u32;
	s1 =	sshll.u32 s4, $0x4  }
0x4: {  	s12 =	sor.u32 s0, s1  }
0x5: {  	s1 =	smul.u32 $0x138, s12;
	s2 =	smin.u32 s12, $0x2  }
0x6: {  	s6 =	rddreg [dreg:$0x1];
	s3 =	simm.s32 $0x0;
	s2 =	sshll.u32 s2, $0x3  }
0x7: {  	s10 =	simm.s32 $0x1;
	s11 =	simm.s32 $0x2;
	s5 =	sadd.s32 s1, s2  }
0x8: {  	s13 =	simm.s32 $0x3;
	s14 =	simm.s32 $0x0;
	s1 =	sadd.s32 $0x138, s5  }
0x9: {  	s9 =	ssub.s32 $0x2, s4;
	s8 =	smul.u32 $0x500, s12;
	s7 =	sshrl.u32 s1, $0x3  }
0xa: {  	[smem:$0x7FF] =	sst s3;
	s30 =	sshrl.u32 s9, $0x1;
	s7 =	smul.u32 $0x13C00, s7  }
.Ltmp0:
0xb: {  	s31 =	ssub.s32 s9, s30;
	s9 =	simm.s32 $0x9C00;
	(pc) =	sbr.rel .LBB2_1-.Ltmp0, $4  }
0xc: {  	p0 =	sgt.u32 s12, $0x1;
	s12 =	simm.s32 $0x13C00;
	s2 =	rddreg [dreg:$0x0]  }
0xd: {  	s29 =	sadd.s32 s8, s6;
	s8 =	smax.u32 s31, $0x1;
	s28 =	sshrl.u32 s7, $0x3  }
0xe: {  	s5 =	sshrl.u32 s5, $0x3;
	s1 =	rddreg [dreg:$0x2];
	s4 =	sadd.s32 s2, s28  }
0xf: {  	v0 =	vimm.f32 $0.0e+00;
	_ =	strace $0x80000047;
	s7 =	sadd.s32 $0x800, s29;
	s6 =	sadd.s32 $0x1380, s4  }
.LBB2_15:
0x10: {  	s14 =	sadd.s32 $0x1, s14  }
0x11: {  	p1 =	sne.s32 s14, s8  }
.Ltmp1:
0x12: {  	_ = 	snop;
	(pc) =	sbr.rel @!p1 .LBB2_16-.Ltmp1, $4  }
0x13: {  	[hbm4b:s7+s3] =	stream.linear.scatter [tilespmem:s12], [sflag:$0x3], $0x2800, $0x38;
	[tilespmem:$0x16400] =	vst v63  }
0x14: {  	_ =	swait.ge [sflag:s13], $0x2800  }
0x15: {  	[sflag:s13] =	ssyncset.done $0x0  }
0x16: {  	[sflag:s13] =	ssyncadd.s32 $0xFFFFD800  }
.LBB2_1:
0x17: {  	s15 =	simm.s32 $0x40;
	s16 =	simm.s32 $0x0  }
.LBB2_2:
0x18: {  	p1 =	sne.s32 s15, $0x9FC0;
	[tilespmem:s16+$0x13C00] =	vst v0;
	s16 =	smov.u32 s15;
	s15 =	sadd.s32 $0x40, s15  }
.Ltmp2:
0x19: {  	(pc) =	sbr.rel @p1 .LBB2_2-.Ltmp2, $2  }
0x1a: {  	_ =	sdelay $0x2  }
0x1b: {  	s16 =	sshra.s32 s16, $0x2  }
0x1c: {  	[tilespmem:s16+$0x13C00] =	vst v0;
	s15 =	simm.s32 $0x0;
	s16 =	simm.s32 $0x0  }
.LBB2_4:
0x1d: {  	s17 =	sadd.s32 s5, s16  }
0x1e: {  	s17 =	smul.u32 $0x13C00, s17;
	_ =	sdelay $0x1  }
0x1f: {  	s17 =	sshrl.u32 s17, $0x3  }
0x20: {  	s17 =	sadd.s32 s2, s17  }
0x21: {  	[tilespmem:s15], [sflag:$0x1] =	stream.linear.gather [hbm4b:s17+s15], $0x9C00, $0x38;
	[tilespmem:$0x16400] =	vst v63  }
0x22: {  	s17 =	sadd.s32 $0x1380, s17  }
0x23: {  	[tilespmem:s9], [sflag:$0x2] =	stream.linear.gather [hbm4b:s17+s15], $0xA000, $0x38;
	[tilespmem:$0x16400] =	vst v63  }
0x24: {  	_ =	swait.ge [sflag:s10], $0x9C00  }
0x25: {  	s29 =	sand.u32 $0x70, s15;
	s18 =	sand.u32 $0xFC00, s15;
	[sflag:s10] =	ssyncset.done $0x0  }
0x26: {  	s18 =	sor.u32 s29, s18;
	[sflag:s10] =	ssyncadd.s32 $0xFFFF6400  }
0x27: {  	s17 =	simm.s32 $0x13C00;
	v1 =	vld [tilespmem:s18+$0x0]  }
0x28: {  	v2 =	vld [tilespmem:s17+$0x0];
	_ =	sdelay $0x1  }
0x29: {  	v3 =	vld [tilespmem:s18+$0x80];
	_ =	sdelay $0x1  }
0x2a: {  	v4 =	vld [tilespmem:s18+$0x100]  }
0x2b: {  	v1 =	vadd.f32 v1, v2  }
0x2c: {  	v2 =	vld [tilespmem:s18+$0x180]  }
0x2d: {  	v1 =	vadd.f32 v3, v1  }
0x2e: {  	v3 =	vld [tilespmem:s18+$0x200]  }
0x2f: {  	v1 =	vadd.f32 v4, v1  }
0x30: {  	s19 =	sand.u32 $0x7, s15;
	v63 =	vld [tilespmem:s18+$0x280]  }
0x31: {  	s19 =	sshll.u32 s19, $0x4;
	v1 =	vadd.f32 v2, v1  }
0x32: {  	s19 =	sadd.s32 $0x0, s19;
	v2 =	vld [tilespmem:s18+$0x300]  }
0x33: {  	s30 =	sor.u32 $0x380, s19;
	v1 =	vadd.f32 v3, v1  }
0x34: {  	v3 =	vld [tilespmem:s30+$0x0]  }
0x35: {  	v1 =	vadd.f32 v63, v1;
	_ =	sdelay $0x1  }
0x36: {  	v1 =	vadd.f32 v2, v1;
	_ =	sdelay $0x1  }
0x37: {  	s31 =	simm.s32 $0x10;
	s18 =	simm.s32 $0x80;
	v1 =	vadd.f32 v3, v1  }
0x38: {  	s19 =	sand.u32 $0x70, s31;
	s20 =	sand.u32 $0xFC00, s18  }
0x39: {  	s21 =	sor.u32 s19, s20;
	s20 =	simm.s32 $0x20;
	s19 =	simm.s32 $0x0;
	[tilespmem:s17+$0x0] =	vst v1  }
.LBB2_5:
0x3a: {  	p1 =	sne.s32 s20, $0x1370;
	v1 =	vld [tilespmem:s21+$0x0];
	s17 =	sadd.s32 $0x10, s17  }
0x3b: {  	v2 =	vld [tilespmem:s17+$0x0];
	_ =	sdelay $0x1  }
0x3c: {  	v3 =	vld [tilespmem:s21+$0x80];
	_ =	sdelay $0x1  }
0x3d: {  	v4 =	vld [tilespmem:s21+$0x100]  }
0x3e: {  	v1 =	vadd.f32 v1, v2  }
0x3f: {  	v2 =	vld [tilespmem:s21+$0x180]  }
0x40: {  	v1 =	vadd.f32 v3, v1  }
0x41: {  	v3 =	vld [tilespmem:s21+$0x200]  }
0x42: {  	s19 =	sadd.s32 $0x1, s19;
	v1 =	vadd.f32 v4, v1  }
0x43: {  	s22 =	sand.u32 $0x7, s19;
	v4 =	vld [tilespmem:s21+$0x280]  }
0x44: {  	s22 =	sshll.u32 s22, $0x4;
	v1 =	vadd.f32 v2, v1  }
0x45: {  	s22 =	sadd.s32 s22, s18;
	v2 =	vld [tilespmem:s21+$0x300]  }
0x46: {  	s21 =	sor.u32 $0x380, s22;
	v1 =	vadd.f32 v3, v1  }
0x47: {  	v3 =	vld [tilespmem:s21+$0x0]  }
0x48: {  	v1 =	vadd.f32 v4, v1;
	_ =	sdelay $0x1  }
.Ltmp3:
0x49: {  	v1 =	vadd.f32 v2, v1;
	(pc) =	sbr.rel @p1 .LBB2_5-.Ltmp3, $4  }
0x4a: {  	_ = 	snop  }
0x4b: {  	s18 =	sadd.s32 $0x80, s18;
	v1 =	vadd.f32 v3, v1  }
0x4c: {  	s22 =	sand.u32 $0xFC00, s18;
	s21 =	sand.u32 $0x70, s20  }
0x4d: {  	s20 =	sadd.s32 $0x10, s20;
	s21 =	sor.u32 s21, s22;
	[tilespmem:s17+$0x0] =	vst v1  }
0x4e: {  	v1 =	vld [tilespmem:s21+$0x0];
	s17 =	sadd.s32 $0x10, s17  }
0x4f: {  	v2 =	vld [tilespmem:s17+$0x0];
	_ =	sdelay $0x1  }
0x50: {  	v3 =	vld [tilespmem:s21+$0x80];
	_ =	sdelay $0x1  }
0x51: {  	v4 =	vld [tilespmem:s21+$0x100]  }
0x52: {  	v1 =	vadd.f32 v1, v2  }
0x53: {  	v2 =	vld [tilespmem:s21+$0x180]  }
0x54: {  	v1 =	vadd.f32 v3, v1  }
0x55: {  	v3 =	vld [tilespmem:s21+$0x200]  }
0x56: {  	s19 =	sadd.s32 $0x1, s19;
	v1 =	vadd.f32 v4, v1  }
0x57: {  	v61 =	vld [tilespmem:s21+$0x280];
	s19 =	sand.u32 $0x7, s19  }
0x58: {  	s19 =	sshll.u32 s19, $0x4;
	v1 =	vadd.f32 v2, v1  }
0x59: {  	s18 =	sadd.s32 s19, s18;
	v2 =	vld [tilespmem:s21+$0x300]  }
0x5a: {  	s18 =	sor.u32 $0x380, s18;
	v1 =	vadd.f32 v3, v1  }
0x5b: {  	v3 =	vld [tilespmem:s18+$0x0]  }
0x5c: {  	v1 =	vadd.f32 v61, v1;
	_ =	sdelay $0x1  }
0x5d: {  	v1 =	vadd.f32 v2, v1;
	_ =	sdelay $0x1  }
0x5e: {  	v1 =	vadd.f32 v3, v1;
	_ =	sdelay $0x1  }
0x5f: {  	[tilespmem:s17+$0x0] =	vst v1  }
0x60: {  	s17 =	simm.s32 $0x0;
	_ =	swait.ge [sflag:s11], $0xA000  }
0x61: {  	s26 =	sand.u32 $0x70, s17;
	s28 =	sand.u32 $0xFC00, s17;
	[sflag:s11] =	ssyncset.done $0x0  }
0x62: {  	s18 =	sor.u32 s26, s28;
	[sflag:s11] =	ssyncadd.s32 $0xFFFF6000  }
0x63: {  	s22 =	sand.u32 $0x1FF0, s17;
	v1 =	vld [tilespmem:s18+$0x9C00]  }
0x64: {  	v2 =	vld [tilespmem:s22+$0x14F80];
	_ =	sdelay $0x1  }
0x65: {  	v3 =	vld [tilespmem:s18+$0x9C80];
	_ =	sdelay $0x1  }
0x66: {  	v62 =	vld [tilespmem:s18+$0x9D00]  }
0x67: {  	v1 =	vadd.f32 v1, v2  }
0x68: {  	v2 =	vld [tilespmem:s18+$0x9D80]  }
0x69: {  	v1 =	vadd.f32 v3, v1  }
0x6a: {  	v3 =	vld [tilespmem:s18+$0x9E00]  }
0x6b: {  	v1 =	vadd.f32 v62, v1  }
0x6c: {  	s29 =	sand.u32 $0x7, s17;
	v63 =	vld [tilespmem:s18+$0x9E80]  }
0x6d: {  	s19 =	sshll.u32 s29, $0x4;
	v1 =	vadd.f32 v2, v1  }
0x6e: {  	s19 =	sadd.s32 $0x0, s19;
	v2 =	vld [tilespmem:s18+$0x9F00]  }
0x6f: {  	s30 =	sor.u32 $0x380, s19;
	v1 =	vadd.f32 v3, v1  }
0x70: {  	v3 =	vld [tilespmem:s30+$0x9C00]  }
0x71: {  	v1 =	vadd.f32 v63, v1;
	_ =	sdelay $0x1  }
0x72: {  	v1 =	vadd.f32 v2, v1;
	_ =	sdelay $0x1  }
0x73: {  	s19 =	simm.s32 $0x10;
	s18 =	simm.s32 $0x80;
	v1 =	vadd.f32 v3, v1  }
0x74: {  	s20 =	sand.u32 $0x70, s19;
	s31 =	sand.u32 $0xFC00, s18  }
0x75: {  	s21 =	sor.u32 s20, s31;
	s20 =	simm.s32 $0x20;
	[tilespmem:s22+$0x14F80] =	vst v1  }
.LBB2_7:
0x76: {  	p1 =	sne.s32 s20, $0x1380;
	s22 =	sand.u32 $0x1FF0, s19;
	v1 =	vld [tilespmem:s21+$0x9C00];
	s19 =	smov.u32 s20  }
0x77: {  	v2 =	vld [tilespmem:s22+$0x14F80];
	_ =	sdelay $0x1  }
0x78: {  	v3 =	vld [tilespmem:s21+$0x9C80];
	_ =	sdelay $0x1  }
0x79: {  	v4 =	vld [tilespmem:s21+$0x9D00]  }
0x7a: {  	v1 =	vadd.f32 v1, v2  }
0x7b: {  	v2 =	vld [tilespmem:s21+$0x9D80]  }
0x7c: {  	v1 =	vadd.f32 v3, v1  }
0x7d: {  	v3 =	vld [tilespmem:s21+$0x9E00]  }
0x7e: {  	s17 =	sadd.s32 $0x1, s17;
	v1 =	vadd.f32 v4, v1  }
0x7f: {  	s23 =	sand.u32 $0x7, s17;
	v4 =	vld [tilespmem:s21+$0x9E80]  }
0x80: {  	s23 =	sshll.u32 s23, $0x4;
	v1 =	vadd.f32 v2, v1  }
0x81: {  	s23 =	sadd.s32 s23, s18;
	v2 =	vld [tilespmem:s21+$0x9F00]  }
0x82: {  	s21 =	sor.u32 $0x380, s23;
	v1 =	vadd.f32 v3, v1  }
0x83: {  	v3 =	vld [tilespmem:s21+$0x9C00]  }
0x84: {  	v1 =	vadd.f32 v4, v1;
	_ =	sdelay $0x1  }
.Ltmp4:
0x85: {  	v1 =	vadd.f32 v2, v1;
	(pc) =	sbr.rel @p1 .LBB2_7-.Ltmp4, $4  }
0x86: {  	_ = 	snop  }
0x87: {  	s18 =	sadd.s32 $0x80, s18;
	v1 =	vadd.f32 v3, v1  }
0x88: {  	s23 =	sand.u32 $0xFC00, s18;
	s21 =	sand.u32 $0x70, s20  }
0x89: {  	s20 =	sadd.s32 $0x10, s20;
	s21 =	sor.u32 s21, s23;
	[tilespmem:s22+$0x14F80] =	vst v1  }
0x8a: {  	s19 =	sand.u32 $0x1FF0, s19;
	v1 =	vld [tilespmem:s21+$0x9C00]  }
0x8b: {  	v2 =	vld [tilespmem:s19+$0x14F80];
	_ =	sdelay $0x1  }
0x8c: {  	v3 =	vld [tilespmem:s21+$0x9C80];
	_ =	sdelay $0x1  }
0x8d: {  	v4 =	vld [tilespmem:s21+$0x9D00]  }
0x8e: {  	v1 =	vadd.f32 v1, v2  }
0x8f: {  	v2 =	vld [tilespmem:s21+$0x9D80]  }
0x90: {  	v1 =	vadd.f32 v3, v1  }
0x91: {  	v3 =	vld [tilespmem:s21+$0x9E00]  }
0x92: {  	s17 =	sadd.s32 $0x1, s17;
	v1 =	vadd.f32 v4, v1  }
0x93: {  	v63 =	vld [tilespmem:s21+$0x9E80];
	s17 =	sand.u32 $0x7, s17  }
0x94: {  	s17 =	sshll.u32 s17, $0x4;
	v1 =	vadd.f32 v2, v1  }
0x95: {  	s17 =	sadd.s32 s17, s18;
	v2 =	vld [tilespmem:s21+$0x9F00]  }
0x96: {  	s17 =	sor.u32 $0x380, s17;
	v1 =	vadd.f32 v3, v1  }
0x97: {  	v3 =	vld [tilespmem:s17+$0x9C00]  }
0x98: {  	s16 =	sadd.s32 $0x1, s16;
	v1 =	vadd.f32 v63, v1  }
0x99: {  	p1 =	sne.s32 s16, $0x27  }
.Ltmp5:
0x9a: {  	v1 =	vadd.f32 v2, v1;
	(pc) =	sbr.rel @p1 .LBB2_4-.Ltmp5, $3  }
0x9b: {  	_ = 	snop  }
0x9c: {  	v1 =	vadd.f32 v3, v1;
	_ =	sdelay $0x1  }
0x9d: {  	[tilespmem:s19+$0x14F80] =	vst v1  }
.Ltmp6:
0x9e: {  	(pc) =	sbr.rel @p0 .LBB2_15-.Ltmp6, $1  }
0x9f: {  	_ =	sdelay $0x3  }
0xa0: {  	s15 =	simm.s32 $0x0  }
0xa1: {  	[tilespmem:s15], [sflag:$0x1] =	stream.linear.gather [hbm4b:s4+s15], $0x9C00, $0x38;
	[tilespmem:$0x16400] =	vst v63  }
0xa2: {  	_ = 	snop  }
0xa3: {  	[tilespmem:s9], [sflag:$0x2] =	stream.linear.gather [hbm4b:s6+s15], $0xA000, $0x38;
	[tilespmem:$0x16400] =	vst v63  }
0xa4: {  	_ =	swait.ge [sflag:s10], $0x9C00  }
0xa5: {  	s16 =	sand.u32 $0x70, s15;
	s17 =	sand.u32 $0xFC00, s15;
	[sflag:s10] =	ssyncset.done $0x0  }
0xa6: {  	s17 =	sor.u32 s16, s17;
	[sflag:s10] =	ssyncadd.s32 $0xFFFF6400  }
0xa7: {  	s16 =	simm.s32 $0x13C00;
	v1 =	vld [tilespmem:s17+$0x0]  }
0xa8: {  	v2 =	vld [tilespmem:s16+$0x0];
	_ =	sdelay $0x1  }
0xa9: {  	v3 =	vld [tilespmem:s17+$0x80];
	_ =	sdelay $0x1  }
0xaa: {  	v4 =	vld [tilespmem:s17+$0x100]  }
0xab: {  	v1 =	vadd.f32 v1, v2  }
0xac: {  	v2 =	vld [tilespmem:s17+$0x180]  }
0xad: {  	v1 =	vadd.f32 v3, v1  }
0xae: {  	v3 =	vld [tilespmem:s17+$0x200]  }
0xaf: {  	v1 =	vadd.f32 v4, v1  }
0xb0: {  	s18 =	sand.u32 $0x7, s15;
	v63 =	vld [tilespmem:s17+$0x280]  }
0xb1: {  	s18 =	sshll.u32 s18, $0x4;
	v1 =	vadd.f32 v2, v1  }
0xb2: {  	s18 =	sadd.s32 $0x0, s18;
	v2 =	vld [tilespmem:s17+$0x300]  }
0xb3: {  	s30 =	sor.u32 $0x380, s18;
	v1 =	vadd.f32 v3, v1  }
0xb4: {  	v3 =	vld [tilespmem:s30+$0x0]  }
0xb5: {  	v1 =	vadd.f32 v63, v1;
	_ =	sdelay $0x1  }
0xb6: {  	v1 =	vadd.f32 v2, v1;
	_ =	sdelay $0x1  }
0xb7: {  	s31 =	simm.s32 $0x10;
	s17 =	simm.s32 $0x80;
	v1 =	vadd.f32 v3, v1  }
0xb8: {  	s18 =	sand.u32 $0x70, s31;
	s19 =	sand.u32 $0xFC00, s17  }
0xb9: {  	s19 =	sor.u32 s18, s19;
	s18 =	simm.s32 $0x20;
	[tilespmem:s16+$0x0] =	vst v1  }
.LBB2_11:
0xba: {  	p1 =	sne.s32 s18, $0x1370;
	v1 =	vld [tilespmem:s19+$0x0];
	s16 =	sadd.s32 $0x10, s16  }
0xbb: {  	v2 =	vld [tilespmem:s16+$0x0];
	_ =	sdelay $0x1  }
0xbc: {  	v3 =	vld [tilespmem:s19+$0x80];
	_ =	sdelay $0x1  }
0xbd: {  	v4 =	vld [tilespmem:s19+$0x100]  }
0xbe: {  	v1 =	vadd.f32 v1, v2  }
0xbf: {  	v2 =	vld [tilespmem:s19+$0x180]  }
0xc0: {  	v1 =	vadd.f32 v3, v1  }
0xc1: {  	v3 =	vld [tilespmem:s19+$0x200]  }
0xc2: {  	s15 =	sadd.s32 $0x1, s15;
	v1 =	vadd.f32 v4, v1  }
0xc3: {  	s20 =	sand.u32 $0x7, s15;
	v4 =	vld [tilespmem:s19+$0x280]  }
0xc4: {  	s20 =	sshll.u32 s20, $0x4;
	v1 =	vadd.f32 v2, v1  }
0xc5: {  	s20 =	sadd.s32 s20, s17;
	v2 =	vld [tilespmem:s19+$0x300]  }
0xc6: {  	s19 =	sor.u32 $0x380, s20;
	v1 =	vadd.f32 v3, v1  }
0xc7: {  	v3 =	vld [tilespmem:s19+$0x0]  }
0xc8: {  	v1 =	vadd.f32 v4, v1;
	_ =	sdelay $0x1  }
.Ltmp7:
0xc9: {  	v1 =	vadd.f32 v2, v1;
	(pc) =	sbr.rel @p1 .LBB2_11-.Ltmp7, $4  }
0xca: {  	_ = 	snop  }
0xcb: {  	s17 =	sadd.s32 $0x80, s17;
	v1 =	vadd.f32 v3, v1  }
0xcc: {  	s20 =	sand.u32 $0xFC00, s17;
	s19 =	sand.u32 $0x70, s18  }
0xcd: {  	s18 =	sadd.s32 $0x10, s18;
	s19 =	sor.u32 s19, s20;
	[tilespmem:s16+$0x0] =	vst v1  }
0xce: {  	v1 =	vld [tilespmem:s19+$0x0];
	s16 =	sadd.s32 $0x10, s16  }
0xcf: {  	v2 =	vld [tilespmem:s16+$0x0];
	_ =	sdelay $0x1  }
0xd0: {  	v3 =	vld [tilespmem:s19+$0x80];
	_ =	sdelay $0x1  }
0xd1: {  	v4 =	vld [tilespmem:s19+$0x100]  }
0xd2: {  	v1 =	vadd.f32 v1, v2  }
0xd3: {  	v2 =	vld [tilespmem:s19+$0x180]  }
0xd4: {  	v1 =	vadd.f32 v3, v1  }
0xd5: {  	v3 =	vld [tilespmem:s19+$0x200]  }
0xd6: {  	s15 =	sadd.s32 $0x1, s15;
	v1 =	vadd.f32 v4, v1  }
0xd7: {  	v61 =	vld [tilespmem:s19+$0x280];
	s15 =	sand.u32 $0x7, s15  }
0xd8: {  	s15 =	sshll.u32 s15, $0x4;
	v1 =	vadd.f32 v2, v1  }
0xd9: {  	s15 =	sadd.s32 s15, s17;
	v2 =	vld [tilespmem:s19+$0x300]  }
0xda: {  	s15 =	sor.u32 $0x380, s15;
	v1 =	vadd.f32 v3, v1  }
0xdb: {  	v3 =	vld [tilespmem:s15+$0x0]  }
0xdc: {  	v1 =	vadd.f32 v61, v1;
	_ =	sdelay $0x1  }
0xdd: {  	v1 =	vadd.f32 v2, v1;
	_ =	sdelay $0x1  }
0xde: {  	v1 =	vadd.f32 v3, v1;
	_ =	sdelay $0x1  }
0xdf: {  	[tilespmem:s16+$0x0] =	vst v1  }
0xe0: {  	s15 =	simm.s32 $0x0;
	_ =	swait.ge [sflag:s11], $0xA000  }
0xe1: {  	s26 =	sand.u32 $0x70, s15;
	s28 =	sand.u32 $0xFC00, s15;
	[sflag:s11] =	ssyncset.done $0x0  }
0xe2: {  	s16 =	sor.u32 s26, s28;
	[sflag:s11] =	ssyncadd.s32 $0xFFFF6000  }
0xe3: {  	s20 =	sand.u32 $0x1FF0, s15;
	v1 =	vld [tilespmem:s16+$0x9C00]  }
0xe4: {  	v2 =	vld [tilespmem:s20+$0x14F80];
	_ =	sdelay $0x1  }
0xe5: {  	v3 =	vld [tilespmem:s16+$0x9C80];
	_ =	sdelay $0x1  }
0xe6: {  	v62 =	vld [tilespmem:s16+$0x9D00]  }
0xe7: {  	v1 =	vadd.f32 v1, v2  }
0xe8: {  	v2 =	vld [tilespmem:s16+$0x9D80]  }
0xe9: {  	v1 =	vadd.f32 v3, v1  }
0xea: {  	v3 =	vld [tilespmem:s16+$0x9E00]  }
0xeb: {  	v1 =	vadd.f32 v62, v1  }
0xec: {  	s29 =	sand.u32 $0x7, s15;
	v63 =	vld [tilespmem:s16+$0x9E80]  }
0xed: {  	s17 =	sshll.u32 s29, $0x4;
	v1 =	vadd.f32 v2, v1  }
0xee: {  	s17 =	sadd.s32 $0x0, s17;
	v2 =	vld [tilespmem:s16+$0x9F00]  }
0xef: {  	s30 =	sor.u32 $0x380, s17;
	v1 =	vadd.f32 v3, v1  }
0xf0: {  	v3 =	vld [tilespmem:s30+$0x9C00]  }
0xf1: {  	v1 =	vadd.f32 v63, v1;
	_ =	sdelay $0x1  }
0xf2: {  	v1 =	vadd.f32 v2, v1;
	_ =	sdelay $0x1  }
0xf3: {  	s17 =	simm.s32 $0x10;
	s16 =	simm.s32 $0x80;
	v1 =	vadd.f32 v3, v1  }
0xf4: {  	s18 =	sand.u32 $0x70, s17;
	s31 =	sand.u32 $0xFC00, s16  }
0xf5: {  	s19 =	sor.u32 s18, s31;
	s18 =	simm.s32 $0x20;
	[tilespmem:s20+$0x14F80] =	vst v1  }
.LBB2_13:
0xf6: {  	p1 =	sne.s32 s18, $0x1380;
	s20 =	sand.u32 $0x1FF0, s17;
	v1 =	vld [tilespmem:s19+$0x9C00];
	s17 =	smov.u32 s18  }
0xf7: {  	v2 =	vld [tilespmem:s20+$0x14F80];
	_ =	sdelay $0x1  }
0xf8: {  	v3 =	vld [tilespmem:s19+$0x9C80];
	_ =	sdelay $0x1  }
0xf9: {  	v4 =	vld [tilespmem:s19+$0x9D00]  }
0xfa: {  	v1 =	vadd.f32 v1, v2  }
0xfb: {  	v2 =	vld [tilespmem:s19+$0x9D80]  }
0xfc: {  	v1 =	vadd.f32 v3, v1  }
0xfd: {  	v3 =	vld [tilespmem:s19+$0x9E00]  }
0xfe: {  	s15 =	sadd.s32 $0x1, s15;
	v1 =	vadd.f32 v4, v1  }
0xff: {  	s21 =	sand.u32 $0x7, s15;
	v4 =	vld [tilespmem:s19+$0x9E80]  }
0x100: {  	s21 =	sshll.u32 s21, $0x4;
	v1 =	vadd.f32 v2, v1  }
0x101: {  	s21 =	sadd.s32 s21, s16;
	v2 =	vld [tilespmem:s19+$0x9F00]  }
0x102: {  	s19 =	sor.u32 $0x380, s21;
	v1 =	vadd.f32 v3, v1  }
0x103: {  	v3 =	vld [tilespmem:s19+$0x9C00]  }
0x104: {  	v1 =	vadd.f32 v4, v1;
	_ =	sdelay $0x1  }
.Ltmp8:
0x105: {  	v1 =	vadd.f32 v2, v1;
	(pc) =	sbr.rel @p1 .LBB2_13-.Ltmp8, $4  }
0x106: {  	_ = 	snop  }
0x107: {  	s16 =	sadd.s32 $0x80, s16;
	v1 =	vadd.f32 v3, v1  }
0x108: {  	s21 =	sand.u32 $0xFC00, s16;
	s19 =	sand.u32 $0x70, s18  }
0x109: {  	s18 =	sadd.s32 $0x10, s18;
	s19 =	sor.u32 s19, s21;
	[tilespmem:s20+$0x14F80] =	vst v1  }
0x10a: {  	s17 =	sand.u32 $0x1FF0, s17;
	v1 =	vld [tilespmem:s19+$0x9C00]  }
0x10b: {  	v2 =	vld [tilespmem:s17+$0x14F80];
	_ =	sdelay $0x1  }
0x10c: {  	v3 =	vld [tilespmem:s19+$0x9C80];
	_ =	sdelay $0x1  }
0x10d: {  	v4 =	vld [tilespmem:s19+$0x9D00]  }
0x10e: {  	v1 =	vadd.f32 v1, v2  }
0x10f: {  	v2 =	vld [tilespmem:s19+$0x9D80]  }
0x110: {  	v1 =	vadd.f32 v3, v1  }
0x111: {  	v3 =	vld [tilespmem:s19+$0x9E00]  }
0x112: {  	s15 =	sadd.s32 $0x1, s15;
	v1 =	vadd.f32 v4, v1  }
0x113: {  	v63 =	vld [tilespmem:s19+$0x9E80];
	s15 =	sand.u32 $0x7, s15  }
0x114: {  	s15 =	sshll.u32 s15, $0x4;
	v1 =	vadd.f32 v2, v1  }
0x115: {  	s15 =	sadd.s32 s15, s16;
	v2 =	vld [tilespmem:s19+$0x9F00]  }
0x116: {  	s15 =	sor.u32 $0x380, s15;
	v1 =	vadd.f32 v3, v1  }
0x117: {  	v3 =	vld [tilespmem:s15+$0x9C00]  }
0x118: {  	v1 =	vadd.f32 v63, v1;
	_ =	sdelay $0x1  }
.Ltmp9:
0x119: {  	v1 =	vadd.f32 v2, v1;
	(pc) =	sbr.rel .LBB2_15-.Ltmp9, $3  }
0x11a: {  	_ = 	snop  }
0x11b: {  	v1 =	vadd.f32 v3, v1;
	_ =	sdelay $0x1  }
0x11c: {  	[tilespmem:s17+$0x14F80] =	vst v1  }
.LBB2_16:
0x11d: {  	_ =	sfence.sel $0x180000  }
0x11e: {  	[bflag:$0x0] =	sbarrier.arrive $0xFFFF  }
0x11f: {  	p0 =	sne.s32 s0, $0x0;
	_ =	strace $0x90000047  }
0x120: {  	s0 =	sadd.s32 @!p0 $0x100000, s1;
	[bflag:$0x2] =	sbarrier.arrive $0xFFFF  }
0x121: {  	[sflag:s0] =	ssyncadd.tile.s32 @!p0 $0x1;
	_ =	shalt  }
.Lfunc_end2:
_tile_overlayer_lowered:
.L_overlay_start_2:
0x122: {  	(tag) =	ssettag $0x2  }
0x123: {  	s0 =	rddreg [dreg:$0x0];
	s2 =	stileid.u32  }
0x124: {  	s1 =	rddreg [dreg:$0x1];
	p0 =	sne.s32 s2, $0x0  }
0x125: {  	s3 =	rddreg [dreg:$0x2];
	[bflag:$0x3] =	sbarrier.arrive $0xFFFF;
	s2 =	simm.s32 @!p0 $0x1C03  }
0x126: {  	[timem:s3], [sflag:s2] =	dma.local @!p0 [hbm:s0], s1  }
0x127: {  	s0 =	simm.s32 @!p0 $0x3  }
0x128: {  	_ =	swait.ge @!p0 [sflag:s0], s1  }
0x129: {  	s1 =	ssub.s32 @!p0 $0x0, s1;
	[sflag:s0] =	ssyncset.done @!p0 $0x0  }
0x12a: {  	[sflag:s0] =	ssyncadd.s32 @!p0 s1  }
0x12b: {  	[bflag:$0x3] =	sbarrier.arrive $0xFFFF  }
0x12c: {  	_ =	shalt  }

</sc_bundles>
